<compile_context>
chip_gen: v7x
topology: tpu7x:2x2x1
jax: 0.10.2.dev20260603
libtpu: 0.0.44.dev20260713+nightly
codegen_flags: <defaults>
</compile_context>

<pallas_src>
import functools

import jax
import jax.numpy as jnp
from jax import lax
from jax.experimental import pallas as pl
from jax.experimental.pallas import tpu as pltpu
from jax.experimental.pallas import tpu_sc as plsc

N = 10000
E = 320000
D = 128
H = 8
DH = 16
NC = 2
NS = 16
NW = NC * NS
EPT = E // NW
CH = 40
NCHUNK = EPT // CH
CH2 = 80
NPAD = 10240
RPT = NPAD // NS

_TC_ROWS = 1000



def _qkv_body(x_ref, wq_ref, wk_ref, wv_ref, q_ref, kv_ref):
    xb = x_ref[...]
    q_ref[...] = jnp.dot(xb, wq_ref[...], preferred_element_type=jnp.float32)
    k = jnp.dot(xb, wk_ref[...], preferred_element_type=jnp.float32)
    v = jnp.dot(xb, wv_ref[...], preferred_element_type=jnp.float32)
    kv_ref[...] = jnp.concatenate([k, v], axis=1)


def _qkv(x, Wq, Wk, Wv):
    nblk = N // _TC_ROWS
    return pl.pallas_call(
        _qkv_body,
        grid=(nblk,),
        in_specs=[
            pl.BlockSpec((_TC_ROWS, D), lambda i: (i, 0)),
            pl.BlockSpec((D, D), lambda i: (0, 0)),
            pl.BlockSpec((D, D), lambda i: (0, 0)),
            pl.BlockSpec((D, D), lambda i: (0, 0)),
        ],
        out_specs=[
            pl.BlockSpec((_TC_ROWS, D), lambda i: (i, 0)),
            pl.BlockSpec((_TC_ROWS, 2 * D), lambda i: (i, 0)),
        ],
        out_shape=[
            jax.ShapeDtypeStruct((N, D), jnp.float32),
            jax.ShapeDtypeStruct((N, 2 * D), jnp.float32),
        ],
    )(x, Wq, Wk, Wv)


def _ep_body(ea_ref, w_ref, out_ref):
    out_ref[...] = jnp.dot(ea_ref[...], w_ref[...],
                           preferred_element_type=jnp.float32)


def _edge_proj(ea2, Wbig):
    rows = E // 8
    nblk = rows // _TC_ROWS
    return pl.pallas_call(
        _ep_body,
        grid=(nblk,),
        in_specs=[
            pl.BlockSpec((_TC_ROWS, D), lambda i: (i, 0)),
            pl.BlockSpec((D, 8 * D), lambda i: (0, 0)),
        ],
        out_specs=pl.BlockSpec((_TC_ROWS, 8 * D), lambda i: (i, 0)),
        out_shape=jax.ShapeDtypeStruct((rows, 8 * D), jnp.float32),
    )(ea2, Wbig)



def _edge_body(kv_hbm, q_hbm, ep_hbm, src_hbm, dst_hbm, zm_hbm,
               outm_hbm, zsc_hbm,
               srcv, dstv, kvb, qb, eb, obm, obz, accm, sem1, sem2):
    c = lax.axis_index("c")
    s = lax.axis_index("s")
    wid = s * NC + c
    r0 = pl.multiple_of(s * RPT, 8)

    pltpu.sync_copy(zm_hbm.at[pl.ds(r0, RPT)], accm.at[pl.ds(r0, RPT)])
    plsc.subcore_barrier()

    iot = lax.iota(jnp.int32, 16)
    pa2 = jnp.bitwise_and(jnp.where(iot < 4, iot, iot + 4), 15)
    pb2 = jnp.where(iot < 12, jnp.bitwise_and(iot - 8, 15),
                    jnp.bitwise_and(iot - 4, 15))
    pa3 = jnp.bitwise_and(((iot >> 1) << 2) | (iot & 1), 15)
    pb3 = jnp.bitwise_and((((iot - 8) >> 1) << 2) | (iot & 1), 15)
    pe = (iot & 7) * 2

    def chunk(i, carry):
        base = pl.multiple_of(wid * EPT + i * CH, 8)
        pltpu.sync_copy(src_hbm.at[pl.ds(base, CH)], srcv)
        pltpu.sync_copy(dst_hbm.at[pl.ds(base, CH)], dstv)
        cp1 = pltpu.async_copy(kv_hbm.at[srcv], kvb, sem1)
        cp2 = pltpu.async_copy(q_hbm.at[dstv], qb, sem2)
        pltpu.sync_copy(ep_hbm.at[pl.ds(base, CH)], eb)
        cp1.wait()
        cp2.wait()

        def edge(j, carry2):
            t = []
            for h in range(H):
                k = kvb[j, pl.ds(DH * h, DH)]
                q = qb[j, pl.ds(DH * h, DH)]
                e = eb[j, pl.ds(DH * h, DH)]
                t.append(k * q * e)
            u = []
            for p in range(4):
                a = t[2 * p] + jnp.take(t[2 * p], jnp.bitwise_xor(iot, 8))
                b = t[2 * p + 1] + jnp.take(t[2 * p + 1], jnp.bitwise_xor(iot, 8))
                u.append(jnp.where(iot < 8, a, b))
            v2 = []
            for p in range(2):
                a = u[2 * p] + jnp.take(u[2 * p], jnp.bitwise_xor(iot, 4))
                b = u[2 * p + 1] + jnp.take(u[2 * p + 1], jnp.bitwise_xor(iot, 4))
                v2.append(jnp.where(iot < 8, jnp.take(a, pa2), jnp.take(b, pb2)))
            a = v2[0] + jnp.take(v2[0], jnp.bitwise_xor(iot, 2))
            b = v2[1] + jnp.take(v2[1], jnp.bitwise_xor(iot, 2))
            w = jnp.where(iot < 8, jnp.take(a, pa3), jnp.take(b, pb3))
            w = w + jnp.take(w, jnp.bitwise_xor(iot, 1))
            zv = jnp.take(w, pe)
            zv = jnp.exp(jnp.clip(zv * 0.25, -5.0, 5.0))
            for h in range(H):
                v = kvb[j, pl.ds(D + DH * h, DH)]
                sb = jnp.take(zv, iot * 0 + h)
                obm[j, pl.ds(DH * h, DH)] = v * sb
            obz[j, :] = zv
            return carry2

        lax.fori_loop(0, CH, edge, 0)
        pltpu.sync_copy(obm, accm.at[dstv], add=True)
        pltpu.sync_copy(obz, zsc_hbm.at[pl.ds(base, CH)])
        return carry

    lax.fori_loop(0, NCHUNK, chunk, 0)
    plsc.subcore_barrier()

    pltpu.sync_copy(accm.at[pl.ds(r0, RPT)], outm_hbm.at[c, pl.ds(r0, RPT)])


def _z_body(zsc_hbm, dst_hbm, zz_hbm, outz_hbm, dstv, zb, ob128, accz, sem1):
    c = lax.axis_index("c")
    s = lax.axis_index("s")
    wid = s * NC + c
    r0 = pl.multiple_of(s * RPT, 8)
    pltpu.sync_copy(zz_hbm.at[pl.ds(r0, RPT)], accz.at[pl.ds(r0, RPT)])

    def zrow(j, carry):
        for t in range(8):
            ob128[j, pl.ds(16 * t, 16)] = jnp.zeros((16,), jnp.float32)
        return carry

    lax.fori_loop(0, CH2, zrow, 0)
    plsc.subcore_barrier()

    def chunk(i, carry):
        base = pl.multiple_of(wid * EPT + i * CH2, 8)
        pltpu.sync_copy(dst_hbm.at[pl.ds(base, CH2)], dstv)
        pltpu.sync_copy(zsc_hbm.at[pl.ds(base, CH2)], zb)

        def mv(j, carry2):
            ob128[j, pl.ds(0, DH)] = zb[j, :]
            return carry2

        lax.fori_loop(0, CH2, mv, 0)
        pltpu.sync_copy(ob128, accz.at[dstv], add=True)
        return carry

    lax.fori_loop(0, EPT // CH2, chunk, 0)
    plsc.subcore_barrier()
    pltpu.sync_copy(accz.at[pl.ds(r0, RPT)], outz_hbm.at[c, pl.ds(r0, RPT)])


def _edge_kernel(kv, q, ep, src, dst, zeros_m):
    mesh = plsc.VectorSubcoreMesh(core_axis_name="c", subcore_axis_name="s",
                                  num_cores=NC, num_subcores=NS)
    fn = pl.kernel(
        _edge_body,
        out_type=(
            jax.ShapeDtypeStruct((NC, NPAD, D), jnp.float32),
            jax.ShapeDtypeStruct((E, DH), jnp.float32),
        ),
        mesh=mesh,
        scratch_types=[
            pltpu.VMEM((CH,), jnp.int32),
            pltpu.VMEM((CH,), jnp.int32),
            pltpu.VMEM((CH, 2 * D), jnp.float32),
            pltpu.VMEM((CH, D), jnp.float32),
            pltpu.VMEM((CH, D), jnp.float32),
            pltpu.VMEM((CH, D), jnp.float32),
            pltpu.VMEM((CH, DH), jnp.float32),
            pltpu.VMEM_SHARED((NPAD, D), jnp.float32),
            pltpu.SemaphoreType.DMA,
            pltpu.SemaphoreType.DMA,
        ],
    )
    return fn(kv, q, ep, src, dst, zeros_m)


def _z_kernel(zsc, dst, zeros_m):
    mesh = plsc.VectorSubcoreMesh(core_axis_name="c", subcore_axis_name="s",
                                  num_cores=NC, num_subcores=NS)
    fn = pl.kernel(
        _z_body,
        out_type=jax.ShapeDtypeStruct((NC, NPAD, D), jnp.float32),
        mesh=mesh,
        scratch_types=[
            pltpu.VMEM((CH2,), jnp.int32),
            pltpu.VMEM((CH2, DH), jnp.float32),
            pltpu.VMEM((CH2, D), jnp.float32),
            pltpu.VMEM_SHARED((NPAD, D), jnp.float32),
            pltpu.SemaphoreType.DMA,
        ],
    )
    return fn(zsc, dst, zeros_m)



def _post_body(pm_ref, pz_ref, x_ref, r16_ref, wo_ref, bo_ref, g1_ref, b1_ref,
               w1_ref, bf1_ref, w2_ref, bf2_ref, g2_ref, b2_ref, out_ref):
    wv = pm_ref[0] + pm_ref[1]
    z = pz_ref[0] + pz_ref[1]
    zx = jnp.dot(z, r16_ref[...], preferred_element_type=jnp.float32)
    ho = wv / (zx + 1e-6)
    h = jnp.dot(ho, wo_ref[...], preferred_element_type=jnp.float32)
    h = h + bo_ref[...] + x_ref[...]
    m = jnp.mean(h, axis=-1, keepdims=True)
    v = jnp.mean((h - m) ** 2, axis=-1, keepdims=True)
    h = (h - m) * lax.rsqrt(v + 1e-5) * g1_ref[...] + b1_ref[...]
    f = jnp.dot(h, w1_ref[...], preferred_element_type=jnp.float32)
    f = jnp.maximum(f + bf1_ref[...], 0.0)
    f = jnp.dot(f, w2_ref[...], preferred_element_type=jnp.float32) + bf2_ref[...]
    h = h + f
    m = jnp.mean(h, axis=-1, keepdims=True)
    v = jnp.mean((h - m) ** 2, axis=-1, keepdims=True)
    out_ref[...] = (h - m) * lax.rsqrt(v + 1e-5) * g2_ref[...] + b2_ref[...]


def _post(pm, pz, x, R16, Wo, bo, ln1_g, ln1_b, W1, b1, W2, b2, ln2_g, ln2_b):
    nblk = N // _TC_ROWS
    vec = lambda d: pl.BlockSpec((d,), lambda i: (0,))
    full = lambda a, b: pl.BlockSpec((a, b), lambda i: (0, 0))
    return pl.pallas_call(
        _post_body,
        grid=(nblk,),
        in_specs=[
            pl.BlockSpec((NC, _TC_ROWS, D), lambda i: (0, i, 0)),
            pl.BlockSpec((NC, _TC_ROWS, D), lambda i: (0, i, 0)),
            pl.BlockSpec((_TC_ROWS, D), lambda i: (i, 0)),
            full(D, D), full(D, D), vec(D), vec(D), vec(D),
            full(D, 2 * D), vec(2 * D), full(2 * D, D), vec(D), vec(D), vec(D),
        ],
        out_specs=pl.BlockSpec((_TC_ROWS, D), lambda i: (i, 0)),
        out_shape=jax.ShapeDtypeStruct((N, D), jnp.float32),
    )(pm, pz, x, R16, Wo, bo, ln1_g, ln1_b, W1, b1, W2, b2, ln2_g, ln2_b)



def kernel(x, edge_index, edge_attr, Wq, Wk, We, Wv, Wo, bo, ln1_g, ln1_b,
           W1, b1, W2, b2, ln2_g, ln2_b):
    src = edge_index[0]
    dst = edge_index[1]

    q, kv = _qkv(x, Wq, Wk, Wv)

    Wbig = jnp.kron(jnp.eye(8, dtype=jnp.float32), We)
    ep = _edge_proj(edge_attr.reshape(E // 8, 8 * DH), Wbig).reshape(E, D)

    zeros_m = jnp.zeros((NPAD, D), jnp.float32)
    pm, zsc = _edge_kernel(kv, q, ep, src, dst, zeros_m)
    pz = _z_kernel(zsc, dst, zeros_m)

    R16 = jnp.kron(jnp.eye(8, dtype=jnp.float32), jnp.ones((1, DH), jnp.float32))
    R16 = jnp.concatenate([R16, jnp.zeros((D - 8, D), jnp.float32)], axis=0)

    return _post(pm, pz, x, R16, Wo, bo, ln1_g, ln1_b, W1, b1, W2, b2,
                 ln2_g, ln2_b)

# --- scband reference (transcript-rebuilt; emitter-appended) ---
"""Pipeline reference for scband-encoder-17549236371616 (READ-ONLY COPY).

The authoritative reference and input builder live on the scoring server;
editing this copy changes nothing except your own understanding.
"""

import jax, jax.numpy as jnp
import numpy as np

N = 10000
E_EDGES = 320000
D_IN = 128
D_OUT = 128
H = 8
DH = D_OUT // H
D_EDGE = 16


def layer_norm(h, g, b):
    m = h.mean(-1, keepdims=True)
    v = ((h - m) ** 2).mean(-1, keepdims=True)
    return (h - m) / jnp.sqrt(v + 1e-5) * g + b


def setup_inputs(seed: int = 0) -> dict:
    key = jax.random.key(seed)
    ks = jax.random.split(key, 16)
    inp = {}
    inp["x"] = jax.random.normal(ks[0], (N, D_IN), dtype=jnp.float32)
    inp["edge_index"] = jax.random.randint(ks[1], (2, E_EDGES), 0, N, dtype=jnp.int32)
    inp["edge_attr"] = jax.random.normal(ks[2], (E_EDGES, D_EDGE), dtype=jnp.float32)
    s = 0.05
    inp["Wq"] = jax.random.normal(ks[3], (D_IN, D_OUT), dtype=jnp.float32) * s
    inp["Wk"] = jax.random.normal(ks[4], (D_IN, D_OUT), dtype=jnp.float32) * s
    inp["We"] = jax.random.normal(ks[5], (D_EDGE, D_OUT), dtype=jnp.float32) * s
    inp["Wv"] = jax.random.normal(ks[6], (D_IN, D_OUT), dtype=jnp.float32) * s
    inp["Wo"] = jax.random.normal(ks[7], (D_OUT, D_OUT), dtype=jnp.float32) * s
    inp["bo"] = jnp.zeros((D_OUT,), dtype=jnp.float32)
    inp["ln1_g"] = jnp.ones((D_OUT,), dtype=jnp.float32)
    inp["ln1_b"] = jnp.zeros((D_OUT,), dtype=jnp.float32)
    inp["W1"] = jax.random.normal(ks[8], (D_OUT, 2 * D_OUT), dtype=jnp.float32) * s
    inp["b1"] = jnp.zeros((2 * D_OUT,), dtype=jnp.float32)
    inp["W2"] = jax.random.normal(ks[9], (2 * D_OUT, D_OUT), dtype=jnp.float32) * s
    inp["b2"] = jnp.zeros((D_OUT,), dtype=jnp.float32)
    inp["ln2_g"] = jnp.ones((D_OUT,), dtype=jnp.float32)
    inp["ln2_b"] = jnp.zeros((D_OUT,), dtype=jnp.float32)
    return inp


def reference(x, edge_index, edge_attr, Wq, Wk, We, Wv, Wo, bo, ln1_g, ln1_b, W1, b1, W2, b2, ln2_g, ln2_b):
    src_idx = edge_index[0]
    dst_idx = edge_index[1]
    Q_h = (x @ Wq).reshape(-1, H, DH)
    K_h = (x @ Wk).reshape(-1, H, DH)
    E_p = (edge_attr @ We).reshape(-1, H, DH)
    V_h = (x @ Wv).reshape(-1, H, DH)
    src = K_h[src_idx]
    dest = Q_h[dst_idx]
    score = src * dest / np.sqrt(DH)
    score = score * E_p
    score = jnp.exp(jnp.clip(score.sum(-1, keepdims=True), -5.0, 5.0))
    msg = V_h[src_idx] * score
    wV = jax.ops.segment_sum(msg, dst_idx, num_segments=N)
    Z = jax.ops.segment_sum(score, dst_idx, num_segments=N)
    h_out = (wV / (Z + 1e-6)).reshape(-1, H * DH)
    h = h_out @ Wo + bo
    h = x + h
    h = layer_norm(h, ln1_g, ln1_b)
    h_in2 = h
    h = jax.nn.relu(h @ W1 + b1)
    h = h @ W2 + b2
    h = h_in2 + h
    h = layer_norm(h, ln2_g, ln2_b)
    return h

if __name__ == "__main__":
    import jax
    _d = setup_inputs()
    print(jax.jit(kernel)(*tuple(_d.values())))

</pallas_src>

<mosaic_0001>
#map = affine_map<(d0, d1) -> (0, 0)>
#map1 = affine_map<(d0, d1) -> (0)>
#map2 = affine_map<(d0, d1) -> (0, 0, 0)>
module attributes {stable_mosaic.version = 14 : i64} {
  func.func @_z_body(%arg0: i32, %arg1: i32, %arg2: memref<320000x16xf32, #tpu.memory_space<hbm>>, %arg3: memref<320000xi32, #tpu.memory_space<hbm>>, %arg4: memref<10240x128xf32, #tpu.memory_space<hbm>>, %arg5: memref<2x10240x128xf32, #tpu.memory_space<hbm>>, %arg6: memref<80xi32, #tpu.memory_space<vmem>>, %arg7: memref<80x16xf32, #tpu.memory_space<vmem>>, %arg8: memref<80x128xf32, #tpu.memory_space<vmem>>, %arg9: memref<10240x128xf32, #tpu.memory_space<vmem_shared>>, %arg10: memref<!tpu.dma_semaphore, #tpu.memory_space<semaphore_mem>>) attributes {dimension_semantics = [#tpu.dimension_semantics<core_parallel>, #tpu.dimension_semantics<subcore_parallel>], iteration_bounds = array<i64: 2, 16>, scalar_prefetch = 0 : i64, scratch_operands = 5 : i64, tpu.core_type = #tpu.core_type<sc_vector_subcore>, window_params = [{transform_indices = #map}, {transform_indices = #map1}, {transform_indices = #map}, {transform_indices = #map2}]} {
    %mul3A = arith.constant 2 : i32
    %mul3A_0 = arith.muli %arg1, %mul3A : i32
    %add3A = arith.addi %mul3A_0, %arg0 : i32
    %mul3A_1 = arith.constant 640 : i32
    %mul3A_2 = arith.muli %arg1, %mul3A_1 : i32
    %multiple_of3A = tpu.assume_multiple %mul3A_2, 8 : i32
    "tpu.region"() ({
      %run_scoped3A = tpu.sem_alloc : memref<!tpu.dma_semaphore, #tpu.memory_space<semaphore_mem>>
      %dma_start3A = arith.constant 0 : i32
      %dma_start3A_15 = tpu.memref_slice %arg9[%multiple_of3A, %dma_start3A] : memref<10240x128xf32, #tpu.memory_space<vmem_shared>> -> memref<640x128xf32, #tpu.memory_space<vmem_shared>>
      %dma_start3A_16 = arith.constant 0 : i32
      %dma_start3A_17 = tpu.memref_slice %arg4[%multiple_of3A, %dma_start3A_16] : memref<10240x128xf32, #tpu.memory_space<hbm>> -> memref<640x128xf32, #tpu.memory_space<hbm>>
      tpu.enqueue_dma source(%dma_start3A_17 : memref<640x128xf32, #tpu.memory_space<hbm>>) target(%dma_start3A_15 : memref<640x128xf32, #tpu.memory_space<vmem_shared>>) target_semaphore(%run_scoped3A : memref<!tpu.dma_semaphore, #tpu.memory_space<semaphore_mem>>)
      %dma_wait3A = arith.constant 0 : i32
      %dma_wait3A_18 = tpu.memref_slice %arg9[%multiple_of3A, %dma_wait3A] : memref<10240x128xf32, #tpu.memory_space<vmem_shared>> -> memref<640x128xf32, #tpu.memory_space<vmem_shared>>
      %dma_wait3A_19 = arith.constant 0 : i32
      %dma_wait3A_20 = tpu.memref_slice %arg4[%multiple_of3A, %dma_wait3A_19] : memref<10240x128xf32, #tpu.memory_space<hbm>> -> memref<640x128xf32, #tpu.memory_space<hbm>>
      tpu.wait_dma2 semaphore(%run_scoped3A : memref<!tpu.dma_semaphore, #tpu.memory_space<semaphore_mem>>) src(%dma_wait3A_20 : memref<640x128xf32, #tpu.memory_space<hbm>>) dst(%dma_wait3A_18 : memref<640x128xf32, #tpu.memory_space<vmem_shared>>)
      tpu.yield
    }) : () -> ()
    %scan3A = arith.constant 0 : i32
    %scan3A_3 = arith.constant 0 : i32
    %scan3A_4 = arith.constant 80 : i32
    %scan3A_5 = arith.addi %scan3A_3, %scan3A_4 : i32
    %scan3A_6 = arith.constant 1 : i32
    scf.for %scan3A_15 = %scan3A_3 to %scan3A_5 step %scan3A_6  : i32 {
      %broadcast_in_dim3A = arith.constant 0.000000e+00 : f32
      %broadcast_in_dim3A_16 = vector.broadcast %broadcast_in_dim3A : f32 to vector<16xf32>
      %swap3A = arith.index_cast %scan3A_15 : i32 to index
      %swap3A_17 = arith.constant 0 : index
      %swap3A_18 = tpu.vector_load %arg8[%swap3A, %swap3A_17] {strides = array<i32>} : memref<80x128xf32, #tpu.memory_space<vmem>>, vector<1x16xf32>,
      %swap3A_19 = vector.shape_cast %swap3A_18 : vector<1x16xf32> to vector<16xf32>
      %swap3A_20 = vector.shape_cast %broadcast_in_dim3A_16 : vector<16xf32> to vector<1x16xf32>
      tpu.vector_store %arg8[%swap3A, %swap3A_17], %swap3A_20 {strides = array<i32>} : memref<80x128xf32, #tpu.memory_space<vmem>>, vector<1x16xf32>,
      %broadcast_in_dim3A_21 = arith.constant 0.000000e+00 : f32
      %broadcast_in_dim3A_22 = vector.broadcast %broadcast_in_dim3A_21 : f32 to vector<16xf32>
      %swap3A_23 = arith.index_cast %scan3A_15 : i32 to index
      %swap3A_24 = arith.constant 16 : index
      %swap3A_25 = tpu.vector_load %arg8[%swap3A_23, %swap3A_24] {strides = array<i32>} : memref<80x128xf32, #tpu.memory_space<vmem>>, vector<1x16xf32>,
      %swap3A_26 = vector.shape_cast %swap3A_25 : vector<1x16xf32> to vector<16xf32>
      %swap3A_27 = vector.shape_cast %broadcast_in_dim3A_22 : vector<16xf32> to vector<1x16xf32>
      tpu.vector_store %arg8[%swap3A_23, %swap3A_24], %swap3A_27 {strides = array<i32>} : memref<80x128xf32, #tpu.memory_space<vmem>>, vector<1x16xf32>,
      %broadcast_in_dim3A_28 = arith.constant 0.000000e+00 : f32
      %broadcast_in_dim3A_29 = vector.broadcast %broadcast_in_dim3A_28 : f32 to vector<16xf32>
      %swap3A_30 = arith.index_cast %scan3A_15 : i32 to index
      %swap3A_31 = arith.constant 32 : index
      %swap3A_32 = tpu.vector_load %arg8[%swap3A_30, %swap3A_31] {strides = array<i32>} : memref<80x128xf32, #tpu.memory_space<vmem>>, vector<1x16xf32>,
      %swap3A_33 = vector.shape_cast %swap3A_32 : vector<1x16xf32> to vector<16xf32>
      %swap3A_34 = vector.shape_cast %broadcast_in_dim3A_29 : vector<16xf32> to vector<1x16xf32>
      tpu.vector_store %arg8[%swap3A_30, %swap3A_31], %swap3A_34 {strides = array<i32>} : memref<80x128xf32, #tpu.memory_space<vmem>>, vector<1x16xf32>,
      %broadcast_in_dim3A_35 = arith.constant 0.000000e+00 : f32
      %broadcast_in_dim3A_36 = vector.broadcast %broadcast_in_dim3A_35 : f32 to vector<16xf32>
      %swap3A_37 = arith.index_cast %scan3A_15 : i32 to index
      %swap3A_38 = arith.constant 48 : index
      %swap3A_39 = tpu.vector_load %arg8[%swap3A_37, %swap3A_38] {strides = array<i32>} : memref<80x128xf32, #tpu.memory_space<vmem>>, vector<1x16xf32>,
      %swap3A_40 = vector.shape_cast %swap3A_39 : vector<1x16xf32> to vector<16xf32>
      %swap3A_41 = vector.shape_cast %broadcast_in_dim3A_36 : vector<16xf32> to vector<1x16xf32>
      tpu.vector_store %arg8[%swap3A_37, %swap3A_38], %swap3A_41 {strides = array<i32>} : memref<80x128xf32, #tpu.memory_space<vmem>>, vector<1x16xf32>,
      %broadcast_in_dim3A_42 = arith.constant 0.000000e+00 : f32
      %broadcast_in_dim3A_43 = vector.broadcast %broadcast_in_dim3A_42 : f32 to vector<16xf32>
      %swap3A_44 = arith.index_cast %scan3A_15 : i32 to index
      %swap3A_45 = arith.constant 64 : index
      %swap3A_46 = tpu.vector_load %arg8[%swap3A_44, %swap3A_45] {strides = array<i32>} : memref<80x128xf32, #tpu.memory_space<vmem>>, vector<1x16xf32>,
      %swap3A_47 = vector.shape_cast %swap3A_46 : vector<1x16xf32> to vector<16xf32>
      %swap3A_48 = vector.shape_cast %broadcast_in_dim3A_43 : vector<16xf32> to vector<1x16xf32>
      tpu.vector_store %arg8[%swap3A_44, %swap3A_45], %swap3A_48 {strides = array<i32>} : memref<80x128xf32, #tpu.memory_space<vmem>>, vector<1x16xf32>,
      %broadcast_in_dim3A_49 = arith.constant 0.000000e+00 : f32
      %broadcast_in_dim3A_50 = vector.broadcast %broadcast_in_dim3A_49 : f32 to vector<16xf32>
      %swap3A_51 = arith.index_cast %scan3A_15 : i32 to index
      %swap3A_52 = arith.constant 80 : index
      %swap3A_53 = tpu.vector_load %arg8[%swap3A_51, %swap3A_52] {strides = array<i32>} : memref<80x128xf32, #tpu.memory_space<vmem>>, vector<1x16xf32>,
      %swap3A_54 = vector.shape_cast %swap3A_53 : vector<1x16xf32> to vector<16xf32>
      %swap3A_55 = vector.shape_cast %broadcast_in_dim3A_50 : vector<16xf32> to vector<1x16xf32>
      tpu.vector_store %arg8[%swap3A_51, %swap3A_52], %swap3A_55 {strides = array<i32>} : memref<80x128xf32, #tpu.memory_space<vmem>>, vector<1x16xf32>,
      %broadcast_in_dim3A_56 = arith.constant 0.000000e+00 : f32
      %broadcast_in_dim3A_57 = vector.broadcast %broadcast_in_dim3A_56 : f32 to vector<16xf32>
      %swap3A_58 = arith.index_cast %scan3A_15 : i32 to index
      %swap3A_59 = arith.constant 96 : index
      %swap3A_60 = tpu.vector_load %arg8[%swap3A_58, %swap3A_59] {strides = array<i32>} : memref<80x128xf32, #tpu.memory_space<vmem>>, vector<1x16xf32>,
      %swap3A_61 = vector.shape_cast %swap3A_60 : vector<1x16xf32> to vector<16xf32>
      %swap3A_62 = vector.shape_cast %broadcast_in_dim3A_57 : vector<16xf32> to vector<1x16xf32>
      tpu.vector_store %arg8[%swap3A_58, %swap3A_59], %swap3A_62 {strides = array<i32>} : memref<80x128xf32, #tpu.memory_space<vmem>>, vector<1x16xf32>,
      %broadcast_in_dim3A_63 = arith.constant 0.000000e+00 : f32
      %broadcast_in_dim3A_64 = vector.broadcast %broadcast_in_dim3A_63 : f32 to vector<16xf32>
      %swap3A_65 = arith.index_cast %scan3A_15 : i32 to index
      %swap3A_66 = arith.constant 112 : index
      %swap3A_67 = tpu.vector_load %arg8[%swap3A_65, %swap3A_66] {strides = array<i32>} : memref<80x128xf32, #tpu.memory_space<vmem>>, vector<1x16xf32>,
      %swap3A_68 = vector.shape_cast %swap3A_67 : vector<1x16xf32> to vector<16xf32>
      %swap3A_69 = vector.shape_cast %broadcast_in_dim3A_64 : vector<16xf32> to vector<1x16xf32>
      tpu.vector_store %arg8[%swap3A_65, %swap3A_66], %swap3A_69 {strides = array<i32>} : memref<80x128xf32, #tpu.memory_space<vmem>>, vector<1x16xf32>,
    }
    %scan3A_7 = arith.constant 80 : i32
    %barrier3A = arith.constant 0 : index
    tpu.barrier barrier_id(%barrier3A)
    %scan3A_8 = arith.constant 0 : i32
    %scan3A_9 = arith.constant 0 : i32
    %scan3A_10 = arith.constant 125 : i32
    %scan3A_11 = arith.addi %scan3A_9, %scan3A_10 : i32
    %scan3A_12 = arith.constant 1 : i32
    scf.for %scan3A_15 = %scan3A_9 to %scan3A_11 step %scan3A_12  : i32 {
      %mul3A_16 = arith.constant 10000 : i32
      %mul3A_17 = arith.muli %add3A, %mul3A_16 : i32
      %mul3A_18 = arith.constant 80 : i32
      %mul3A_19 = arith.muli %scan3A_15, %mul3A_18 : i32
      %add3A_20 = arith.addi %mul3A_17, %mul3A_19 : i32
      %multiple_of3A_21 = tpu.assume_multiple %add3A_20, 8 : i32
      "tpu.region"() ({
        %run_scoped3A = tpu.sem_alloc : memref<!tpu.dma_semaphore, #tpu.memory_space<semaphore_mem>>
        %dma_start3A = tpu.memref_slice %arg3[%multiple_of3A_21] : memref<320000xi32, #tpu.memory_space<hbm>> -> memref<80xi32, #tpu.memory_space<hbm>>
        %dma_start3A_28 = tpu.memref_slice %arg3[%multiple_of3A_21] : memref<320000xi32, #tpu.memory_space<hbm>> -> memref<80xi32, #tpu.memory_space<hbm>>
        tpu.enqueue_dma source(%dma_start3A_28 : memref<80xi32, #tpu.memory_space<hbm>>) target(%arg6 : memref<80xi32, #tpu.memory_space<vmem>>) target_semaphore(%run_scoped3A : memref<!tpu.dma_semaphore, #tpu.memory_space<semaphore_mem>>)
        %dma_wait3A = tpu.memref_slice %arg3[%multiple_of3A_21] : memref<320000xi32, #tpu.memory_space<hbm>> -> memref<80xi32, #tpu.memory_space<hbm>>
        %dma_wait3A_29 = tpu.memref_slice %arg3[%multiple_of3A_21] : memref<320000xi32, #tpu.memory_space<hbm>> -> memref<80xi32, #tpu.memory_space<hbm>>
        tpu.wait_dma2 semaphore(%run_scoped3A : memref<!tpu.dma_semaphore, #tpu.memory_space<semaphore_mem>>) src(%dma_wait3A_29 : memref<80xi32, #tpu.memory_space<hbm>>) dst(%arg6 : memref<80xi32, #tpu.memory_space<vmem>>)
        tpu.yield
      }) : () -> ()
      "tpu.region"() ({
        %run_scoped3A = tpu.sem_alloc : memref<!tpu.dma_semaphore, #tpu.memory_space<semaphore_mem>>
        %dma_start3A = arith.constant 0 : i32
        %dma_start3A_28 = tpu.memref_slice %arg2[%multiple_of3A_21, %dma_start3A] : memref<320000x16xf32, #tpu.memory_space<hbm>> -> memref<80x16xf32, #tpu.memory_space<hbm>>
        %dma_start3A_29 = arith.constant 0 : i32
        %dma_start3A_30 = tpu.memref_slice %arg2[%multiple_of3A_21, %dma_start3A_29] : memref<320000x16xf32, #tpu.memory_space<hbm>> -> memref<80x16xf32, #tpu.memory_space<hbm>>
        tpu.enqueue_dma source(%dma_start3A_30 : memref<80x16xf32, #tpu.memory_space<hbm>>) target(%arg7 : memref<80x16xf32, #tpu.memory_space<vmem>>) target_semaphore(%run_scoped3A : memref<!tpu.dma_semaphore, #tpu.memory_space<semaphore_mem>>)
        %dma_wait3A = arith.constant 0 : i32
        %dma_wait3A_31 = tpu.memref_slice %arg2[%multiple_of3A_21, %dma_wait3A] : memref<320000x16xf32, #tpu.memory_space<hbm>> -> memref<80x16xf32, #tpu.memory_space<hbm>>
        %dma_wait3A_32 = arith.constant 0 : i32
        %dma_wait3A_33 = tpu.memref_slice %arg2[%multiple_of3A_21, %dma_wait3A_32] : memref<320000x16xf32, #tpu.memory_space<hbm>> -> memref<80x16xf32, #tpu.memory_space<hbm>>
        tpu.wait_dma2 semaphore(%run_scoped3A : memref<!tpu.dma_semaphore, #tpu.memory_space<semaphore_mem>>) src(%dma_wait3A_33 : memref<80x16xf32, #tpu.memory_space<hbm>>) dst(%arg7 : memref<80x16xf32, #tpu.memory_space<vmem>>)
        tpu.yield
      }) : () -> ()
      %scan3A_22 = arith.constant 0 : i32
      %scan3A_23 = arith.constant 0 : i32
      %scan3A_24 = arith.constant 80 : i32
      %scan3A_25 = arith.addi %scan3A_23, %scan3A_24 : i32
      %scan3A_26 = arith.constant 1 : i32
      scf.for %scan3A_28 = %scan3A_23 to %scan3A_25 step %scan3A_26  : i32 {
        %get3A = arith.index_cast %scan3A_28 : i32 to index
        %get3A_29 = arith.constant 0 : index
        %get3A_30 = tpu.vector_load %arg7[%get3A, %get3A_29] {strides = array<i32>} : memref<80x16xf32, #tpu.memory_space<vmem>>, vector<1x16xf32>,
        %get3A_31 = vector.shape_cast %get3A_30 : vector<1x16xf32> to vector<16xf32>
        %swap3A = arith.index_cast %scan3A_28 : i32 to index
        %swap3A_32 = arith.constant 0 : index
        %swap3A_33 = tpu.vector_load %arg8[%swap3A, %swap3A_32] {strides = array<i32>} : memref<80x128xf32, #tpu.memory_space<vmem>>, vector<1x16xf32>,
        %swap3A_34 = vector.shape_cast %swap3A_33 : vector<1x16xf32> to vector<16xf32>
        %swap3A_35 = vector.shape_cast %get3A_31 : vector<16xf32> to vector<1x16xf32>
        tpu.vector_store %arg8[%swap3A, %swap3A_32], %swap3A_35 {strides = array<i32>} : memref<80x128xf32, #tpu.memory_space<vmem>>, vector<1x16xf32>,
      }
      %scan3A_27 = arith.constant 80 : i32
      "tpu.region"() ({
        %run_scoped3A = tpu.sem_alloc : memref<!tpu.dma_semaphore, #tpu.memory_space<semaphore_mem>>
        %dma_start3A = arith.constant 0 : i32
        %dma_start3A_28 = arith.constant 0 : i32
        %dma_start3A_29 = tpu.memref_slice %arg9[%dma_start3A, %dma_start3A_28] : memref<10240x128xf32, #tpu.memory_space<vmem_shared>> -> memref<10240x128xf32, #tpu.memory_space<vmem_shared>>
        tpu.enqueue_indirect_dma source(%arg8 : memref<80x128xf32, #tpu.memory_space<vmem>>) target(%dma_start3A_29 : memref<10240x128xf32, #tpu.memory_space<vmem_shared>>) offsets(%arg6 : memref<80xi32, #tpu.memory_space<vmem>>) semaphore(%run_scoped3A : memref<!tpu.dma_semaphore, #tpu.memory_space<semaphore_mem>>) {add = true}
        %dma_wait3A = arith.constant 0 : i32
        %dma_wait3A_30 = arith.constant 0 : i32
        %dma_wait3A_31 = tpu.memref_slice %arg9[%dma_wait3A, %dma_wait3A_30] : memref<10240x128xf32, #tpu.memory_space<vmem_shared>> -> memref<10240x128xf32, #tpu.memory_space<vmem_shared>>
        tpu.wait_indirect_dma semaphore(%run_scoped3A : memref<!tpu.dma_semaphore, #tpu.memory_space<semaphore_mem>>) src(%arg8 : memref<80x128xf32, #tpu.memory_space<vmem>>) dst(%dma_wait3A_31 : memref<10240x128xf32, #tpu.memory_space<vmem_shared>>)
        tpu.yield
      }) : () -> ()
    }
    %scan3A_13 = arith.constant 125 : i32
    %barrier3A_14 = arith.constant 0 : index
    tpu.barrier barrier_id(%barrier3A_14)
    "tpu.region"() ({
      %run_scoped3A = tpu.sem_alloc : memref<!tpu.dma_semaphore, #tpu.memory_space<semaphore_mem>>
      %dma_start3A = arith.constant 0 : i32
      %dma_start3A_15 = tpu.memref_slice %arg5[%arg0, %multiple_of3A, %dma_start3A] : memref<2x10240x128xf32, #tpu.memory_space<hbm>> -> memref<1x640x128xf32, #tpu.memory_space<hbm>>
      %dma_start3A_16 = tpu.memref_squeeze %dma_start3A_15 : memref<1x640x128xf32, #tpu.memory_space<hbm>> -> memref<640x128xf32, #tpu.memory_space<hbm>>
      %dma_start3A_17 = arith.constant 0 : i32
      %dma_start3A_18 = tpu.memref_slice %arg9[%multiple_of3A, %dma_start3A_17] : memref<10240x128xf32, #tpu.memory_space<vmem_shared>> -> memref<640x128xf32, #tpu.memory_space<vmem_shared>>
      tpu.enqueue_dma source(%dma_start3A_18 : memref<640x128xf32, #tpu.memory_space<vmem_shared>>) target(%dma_start3A_16 : memref<640x128xf32, #tpu.memory_space<hbm>>) target_semaphore(%run_scoped3A : memref<!tpu.dma_semaphore, #tpu.memory_space<semaphore_mem>>)
      %dma_wait3A = arith.constant 0 : i32
      %dma_wait3A_19 = tpu.memref_slice %arg5[%arg0, %multiple_of3A, %dma_wait3A] : memref<2x10240x128xf32, #tpu.memory_space<hbm>> -> memref<1x640x128xf32, #tpu.memory_space<hbm>>
      %dma_wait3A_20 = tpu.memref_squeeze %dma_wait3A_19 : memref<1x640x128xf32, #tpu.memory_space<hbm>> -> memref<640x128xf32, #tpu.memory_space<hbm>>
      %dma_wait3A_21 = arith.constant 0 : i32
      %dma_wait3A_22 = tpu.memref_slice %arg9[%multiple_of3A, %dma_wait3A_21] : memref<10240x128xf32, #tpu.memory_space<vmem_shared>> -> memref<640x128xf32, #tpu.memory_space<vmem_shared>>
      tpu.wait_dma2 semaphore(%run_scoped3A : memref<!tpu.dma_semaphore, #tpu.memory_space<semaphore_mem>>) src(%dma_wait3A_22 : memref<640x128xf32, #tpu.memory_space<vmem_shared>>) dst(%dma_wait3A_20 : memref<640x128xf32, #tpu.memory_space<hbm>>)
      tpu.yield
    }) : () -> ()
    return
  }
}

#map = affine_map<(d0, d1) -> (0, 0)>
#map1 = affine_map<(d0, d1) -> (0)>
#map2 = affine_map<(d0, d1) -> (0, 0, 0)>
module attributes {stable_mosaic.version = 14 : i64} {
  func.func @_edge_body(%arg0: i32, %arg1: i32, %arg2: memref<10000x256xf32, #tpu.memory_space<hbm>>, %arg3: memref<10000x128xf32, #tpu.memory_space<hbm>>, %arg4: memref<320000x128xf32, #tpu.memory_space<hbm>>, %arg5: memref<320000xi32, #tpu.memory_space<hbm>>, %arg6: memref<320000xi32, #tpu.memory_space<hbm>>, %arg7: memref<10240x128xf32, #tpu.memory_space<hbm>>, %arg8: memref<2x10240x128xf32, #tpu.memory_space<hbm>>, %arg9: memref<320000x16xf32, #tpu.memory_space<hbm>>, %arg10: memref<40xi32, #tpu.memory_space<vmem>>, %arg11: memref<40xi32, #tpu.memory_space<vmem>>, %arg12: memref<40x256xf32, #tpu.memory_space<vmem>>, %arg13: memref<40x128xf32, #tpu.memory_space<vmem>>, %arg14: memref<40x128xf32, #tpu.memory_space<vmem>>, %arg15: memref<40x128xf32, #tpu.memory_space<vmem>>, %arg16: memref<40x16xf32, #tpu.memory_space<vmem>>, %arg17: memref<10240x128xf32, #tpu.memory_space<vmem_shared>>, %arg18: memref<!tpu.dma_semaphore, #tpu.memory_space<semaphore_mem>>, %arg19: memref<!tpu.dma_semaphore, #tpu.memory_space<semaphore_mem>>) attributes {dimension_semantics = [#tpu.dimension_semantics<core_parallel>, #tpu.dimension_semantics<subcore_parallel>], iteration_bounds = array<i64: 2, 16>, scalar_prefetch = 0 : i64, scratch_operands = 10 : i64, tpu.core_type = #tpu.core_type<sc_vector_subcore>, window_params = [{transform_indices = #map}, {transform_indices = #map}, {transform_indices = #map}, {transform_indices = #map1}, {transform_indices = #map1}, {transform_indices = #map}, {transform_indices = #map2}, {transform_indices = #map}]} {
    %mul3A = arith.constant 2 : i32
    %mul3A_0 = arith.muli %arg1, %mul3A : i32
    %add3A = arith.addi %mul3A_0, %arg0 : i32
    %mul3A_1 = arith.constant 640 : i32
    %mul3A_2 = arith.muli %arg1, %mul3A_1 : i32
    %multiple_of3A = tpu.assume_multiple %mul3A_2, 8 : i32
    "tpu.region"() ({
      %run_scoped3A = tpu.sem_alloc : memref<!tpu.dma_semaphore, #tpu.memory_space<semaphore_mem>>
      %dma_start3A = arith.constant 0 : i32
      %dma_start3A_63 = tpu.memref_slice %arg17[%multiple_of3A, %dma_start3A] : memref<10240x128xf32, #tpu.memory_space<vmem_shared>> -> memref<640x128xf32, #tpu.memory_space<vmem_shared>>
      %dma_start3A_64 = arith.constant 0 : i32
      %dma_start3A_65 = tpu.memref_slice %arg7[%multiple_of3A, %dma_start3A_64] : memref<10240x128xf32, #tpu.memory_space<hbm>> -> memref<640x128xf32, #tpu.memory_space<hbm>>
      tpu.enqueue_dma source(%dma_start3A_65 : memref<640x128xf32, #tpu.memory_space<hbm>>) target(%dma_start3A_63 : memref<640x128xf32, #tpu.memory_space<vmem_shared>>) target_semaphore(%run_scoped3A : memref<!tpu.dma_semaphore, #tpu.memory_space<semaphore_mem>>)
      %dma_wait3A = arith.constant 0 : i32
      %dma_wait3A_66 = tpu.memref_slice %arg17[%multiple_of3A, %dma_wait3A] : memref<10240x128xf32, #tpu.memory_space<vmem_shared>> -> memref<640x128xf32, #tpu.memory_space<vmem_shared>>
      %dma_wait3A_67 = arith.constant 0 : i32
      %dma_wait3A_68 = tpu.memref_slice %arg7[%multiple_of3A, %dma_wait3A_67] : memref<10240x128xf32, #tpu.memory_space<hbm>> -> memref<640x128xf32, #tpu.memory_space<hbm>>
      tpu.wait_dma2 semaphore(%run_scoped3A : memref<!tpu.dma_semaphore, #tpu.memory_space<semaphore_mem>>) src(%dma_wait3A_68 : memref<640x128xf32, #tpu.memory_space<hbm>>) dst(%dma_wait3A_66 : memref<640x128xf32, #tpu.memory_space<vmem_shared>>)
      tpu.yield
    }) : () -> ()
    %barrier3A = arith.constant 0 : index
    tpu.barrier barrier_id(%barrier3A)
    %iota3A = tpu.iota {dimensions = array<i32: 0>} : vector<16xi32>
    %lt3A = arith.constant 4 : i32
    %lt3A_3 = vector.broadcast %lt3A : i32 to vector<16xi32>
    %lt3A_4 = arith.cmpi slt, %iota3A, %lt3A_3 : vector<16xi32>
    %add3A_5 = arith.constant 4 : i32
    %add3A_6 = vector.broadcast %add3A_5 : i32 to vector<16xi32>
    %add3A_7 = arith.addi %iota3A, %add3A_6 : vector<16xi32>
    %select_n3A = arith.select %lt3A_4, %iota3A, %add3A_7 : vector<16xi1>, vector<16xi32>
    %and3A = arith.constant 15 : i32
    %and3A_8 = vector.broadcast %and3A : i32 to vector<16xi32>
    %and3A_9 = arith.andi %select_n3A, %and3A_8 : vector<16xi32>
    %lt3A_10 = arith.constant 12 : i32
    %lt3A_11 = vector.broadcast %lt3A_10 : i32 to vector<16xi32>
    %lt3A_12 = arith.cmpi slt, %iota3A, %lt3A_11 : vector<16xi32>
    %sub3A = arith.constant 8 : i32
    %sub3A_13 = vector.broadcast %sub3A : i32 to vector<16xi32>
    %sub3A_14 = arith.subi %iota3A, %sub3A_13 : vector<16xi32>
    %and3A_15 = arith.constant 15 : i32
    %and3A_16 = vector.broadcast %and3A_15 : i32 to vector<16xi32>
    %and3A_17 = arith.andi %sub3A_14, %and3A_16 : vector<16xi32>
    %sub3A_18 = arith.constant 4 : i32
    %sub3A_19 = vector.broadcast %sub3A_18 : i32 to vector<16xi32>
    %sub3A_20 = arith.subi %iota3A, %sub3A_19 : vector<16xi32>
    %and3A_21 = arith.constant 15 : i32
    %and3A_22 = vector.broadcast %and3A_21 : i32 to vector<16xi32>
    %and3A_23 = arith.andi %sub3A_20, %and3A_22 : vector<16xi32>
    %select_n3A_24 = arith.select %lt3A_12, %and3A_17, %and3A_23 : vector<16xi1>, vector<16xi32>
    %shift_right_arithmetic3A = arith.constant 1 : i32
    %shift_right_arithmetic3A_25 = vector.broadcast %shift_right_arithmetic3A : i32 to vector<16xi32>
    %shift_right_arithmetic3A_26 = arith.shrsi %iota3A, %shift_right_arithmetic3A_25 : vector<16xi32>
    %shift_left3A = arith.constant 2 : i32
    %shift_left3A_27 = vector.broadcast %shift_left3A : i32 to vector<16xi32>
    %shift_left3A_28 = arith.shli %shift_right_arithmetic3A_26, %shift_left3A_27 : vector<16xi32>
    %and3A_29 = arith.constant 1 : i32
    %and3A_30 = vector.broadcast %and3A_29 : i32 to vector<16xi32>
    %and3A_31 = arith.andi %iota3A, %and3A_30 : vector<16xi32>
    %or3A = arith.ori %shift_left3A_28, %and3A_31 : vector<16xi32>
    %and3A_32 = arith.constant 15 : i32
    %and3A_33 = vector.broadcast %and3A_32 : i32 to vector<16xi32>
    %and3A_34 = arith.andi %or3A, %and3A_33 : vector<16xi32>
    %sub3A_35 = arith.constant 8 : i32
    %sub3A_36 = vector.broadcast %sub3A_35 : i32 to vector<16xi32>
    %sub3A_37 = arith.subi %iota3A, %sub3A_36 : vector<16xi32>
    %shift_right_arithmetic3A_38 = arith.constant 1 : i32
    %shift_right_arithmetic3A_39 = vector.broadcast %shift_right_arithmetic3A_38 : i32 to vector<16xi32>
    %shift_right_arithmetic3A_40 = arith.shrsi %sub3A_37, %shift_right_arithmetic3A_39 : vector<16xi32>
    %shift_left3A_41 = arith.constant 2 : i32
    %shift_left3A_42 = vector.broadcast %shift_left3A_41 : i32 to vector<16xi32>
    %shift_left3A_43 = arith.shli %shift_right_arithmetic3A_40, %shift_left3A_42 : vector<16xi32>
    %and3A_44 = arith.constant 1 : i32
    %and3A_45 = vector.broadcast %and3A_44 : i32 to vector<16xi32>
    %and3A_46 = arith.andi %iota3A, %and3A_45 : vector<16xi32>
    %or3A_47 = arith.ori %shift_left3A_43, %and3A_46 : vector<16xi32>
    %and3A_48 = arith.constant 15 : i32
    %and3A_49 = vector.broadcast %and3A_48 : i32 to vector<16xi32>
    %and3A_50 = arith.andi %or3A_47, %and3A_49 : vector<16xi32>
    %and3A_51 = arith.constant 7 : i32
    %and3A_52 = vector.broadcast %and3A_51 : i32 to vector<16xi32>
    %and3A_53 = arith.andi %iota3A, %and3A_52 : vector<16xi32>
    %mul3A_54 = arith.constant 2 : i32
    %mul3A_55 = vector.broadcast %mul3A_54 : i32 to vector<16xi32>
    %mul3A_56 = arith.muli %and3A_53, %mul3A_55 : vector<16xi32>
    %scan3A = arith.constant 0 : i32
    %scan3A_57 = arith.constant 0 : i32
    %scan3A_58 = arith.constant 250 : i32
    %scan3A_59 = arith.addi %scan3A_57, %scan3A_58 : i32
    %scan3A_60 = arith.constant 1 : i32
    scf.for %scan3A_63 = %scan3A_57 to %scan3A_59 step %scan3A_60  : i32 {
      %mul3A_64 = arith.constant 10000 : i32
      %mul3A_65 = arith.muli %add3A, %mul3A_64 : i32
      %mul3A_66 = arith.constant 40 : i32
      %mul3A_67 = arith.muli %scan3A_63, %mul3A_66 : i32
      %add3A_68 = arith.addi %mul3A_65, %mul3A_67 : i32
      %multiple_of3A_69 = tpu.assume_multiple %add3A_68, 8 : i32
      "tpu.region"() ({
        %run_scoped3A = tpu.sem_alloc : memref<!tpu.dma_semaphore, #tpu.memory_space<semaphore_mem>>
        %dma_start3A_86 = tpu.memref_slice %arg5[%multiple_of3A_69] : memref<320000xi32, #tpu.memory_space<hbm>> -> memref<40xi32, #tpu.memory_space<hbm>>
        %dma_start3A_87 = tpu.memref_slice %arg5[%multiple_of3A_69] : memref<320000xi32, #tpu.memory_space<hbm>> -> memref<40xi32, #tpu.memory_space<hbm>>
        tpu.enqueue_dma source(%dma_start3A_87 : memref<40xi32, #tpu.memory_space<hbm>>) target(%arg10 : memref<40xi32, #tpu.memory_space<vmem>>) target_semaphore(%run_scoped3A : memref<!tpu.dma_semaphore, #tpu.memory_space<semaphore_mem>>)
        %dma_wait3A_88 = tpu.memref_slice %arg5[%multiple_of3A_69] : memref<320000xi32, #tpu.memory_space<hbm>> -> memref<40xi32, #tpu.memory_space<hbm>>
        %dma_wait3A_89 = tpu.memref_slice %arg5[%multiple_of3A_69] : memref<320000xi32, #tpu.memory_space<hbm>> -> memref<40xi32, #tpu.memory_space<hbm>>
        tpu.wait_dma2 semaphore(%run_scoped3A : memref<!tpu.dma_semaphore, #tpu.memory_space<semaphore_mem>>) src(%dma_wait3A_89 : memref<40xi32, #tpu.memory_space<hbm>>) dst(%arg10 : memref<40xi32, #tpu.memory_space<vmem>>)
        tpu.yield
      }) : () -> ()
      "tpu.region"() ({
        %run_scoped3A = tpu.sem_alloc : memref<!tpu.dma_semaphore, #tpu.memory_space<semaphore_mem>>
        %dma_start3A_86 = tpu.memref_slice %arg6[%multiple_of3A_69] : memref<320000xi32, #tpu.memory_space<hbm>> -> memref<40xi32, #tpu.memory_space<hbm>>
        %dma_start3A_87 = tpu.memref_slice %arg6[%multiple_of3A_69] : memref<320000xi32, #tpu.memory_space<hbm>> -> memref<40xi32, #tpu.memory_space<hbm>>
        tpu.enqueue_dma source(%dma_start3A_87 : memref<40xi32, #tpu.memory_space<hbm>>) target(%arg11 : memref<40xi32, #tpu.memory_space<vmem>>) target_semaphore(%run_scoped3A : memref<!tpu.dma_semaphore, #tpu.memory_space<semaphore_mem>>)
        %dma_wait3A_88 = tpu.memref_slice %arg6[%multiple_of3A_69] : memref<320000xi32, #tpu.memory_space<hbm>> -> memref<40xi32, #tpu.memory_space<hbm>>
        %dma_wait3A_89 = tpu.memref_slice %arg6[%multiple_of3A_69] : memref<320000xi32, #tpu.memory_space<hbm>> -> memref<40xi32, #tpu.memory_space<hbm>>
        tpu.wait_dma2 semaphore(%run_scoped3A : memref<!tpu.dma_semaphore, #tpu.memory_space<semaphore_mem>>) src(%dma_wait3A_89 : memref<40xi32, #tpu.memory_space<hbm>>) dst(%arg11 : memref<40xi32, #tpu.memory_space<vmem>>)
        tpu.yield
      }) : () -> ()
      %dma_start3A = arith.constant 0 : i32
      %dma_start3A_70 = arith.constant 0 : i32
      %dma_start3A_71 = tpu.memref_slice %arg2[%dma_start3A, %dma_start3A_70] : memref<10000x256xf32, #tpu.memory_space<hbm>> -> memref<10000x256xf32, #tpu.memory_space<hbm>>
      tpu.enqueue_indirect_dma source(%dma_start3A_71 : memref<10000x256xf32, #tpu.memory_space<hbm>>) target(%arg12 : memref<40x256xf32, #tpu.memory_space<vmem>>) offsets(%arg10 : memref<40xi32, #tpu.memory_space<vmem>>) semaphore(%arg18 : memref<!tpu.dma_semaphore, #tpu.memory_space<semaphore_mem>>)
      %dma_start3A_72 = arith.constant 0 : i32
      %dma_start3A_73 = arith.constant 0 : i32
      %dma_start3A_74 = tpu.memref_slice %arg3[%dma_start3A_72, %dma_start3A_73] : memref<10000x128xf32, #tpu.memory_space<hbm>> -> memref<10000x128xf32, #tpu.memory_space<hbm>>
      tpu.enqueue_indirect_dma source(%dma_start3A_74 : memref<10000x128xf32, #tpu.memory_space<hbm>>) target(%arg13 : memref<40x128xf32, #tpu.memory_space<vmem>>) offsets(%arg11 : memref<40xi32, #tpu.memory_space<vmem>>) semaphore(%arg19 : memref<!tpu.dma_semaphore, #tpu.memory_space<semaphore_mem>>)
      "tpu.region"() ({
        %run_scoped3A = tpu.sem_alloc : memref<!tpu.dma_semaphore, #tpu.memory_space<semaphore_mem>>
        %dma_start3A_86 = arith.constant 0 : i32
        %dma_start3A_87 = tpu.memref_slice %arg4[%multiple_of3A_69, %dma_start3A_86] : memref<320000x128xf32, #tpu.memory_space<hbm>> -> memref<40x128xf32, #tpu.memory_space<hbm>>
        %dma_start3A_88 = arith.constant 0 : i32
        %dma_start3A_89 = tpu.memref_slice %arg4[%multiple_of3A_69, %dma_start3A_88] : memref<320000x128xf32, #tpu.memory_space<hbm>> -> memref<40x128xf32, #tpu.memory_space<hbm>>
        tpu.enqueue_dma source(%dma_start3A_89 : memref<40x128xf32, #tpu.memory_space<hbm>>) target(%arg14 : memref<40x128xf32, #tpu.memory_space<vmem>>) target_semaphore(%run_scoped3A : memref<!tpu.dma_semaphore, #tpu.memory_space<semaphore_mem>>)
        %dma_wait3A_90 = arith.constant 0 : i32
        %dma_wait3A_91 = tpu.memref_slice %arg4[%multiple_of3A_69, %dma_wait3A_90] : memref<320000x128xf32, #tpu.memory_space<hbm>> -> memref<40x128xf32, #tpu.memory_space<hbm>>
        %dma_wait3A_92 = arith.constant 0 : i32
        %dma_wait3A_93 = tpu.memref_slice %arg4[%multiple_of3A_69, %dma_wait3A_92] : memref<320000x128xf32, #tpu.memory_space<hbm>> -> memref<40x128xf32, #tpu.memory_space<hbm>>
        tpu.wait_dma2 semaphore(%run_scoped3A : memref<!tpu.dma_semaphore, #tpu.memory_space<semaphore_mem>>) src(%dma_wait3A_93 : memref<40x128xf32, #tpu.memory_space<hbm>>) dst(%arg14 : memref<40x128xf32, #tpu.memory_space<vmem>>)
        tpu.yield
      }) : () -> ()
      %dma_wait3A = arith.constant 0 : i32
      %dma_wait3A_75 = arith.constant 0 : i32
      %dma_wait3A_76 = tpu.memref_slice %arg2[%dma_wait3A, %dma_wait3A_75] : memref<10000x256xf32, #tpu.memory_space<hbm>> -> memref<10000x256xf32, #tpu.memory_space<hbm>>
      tpu.wait_indirect_dma semaphore(%arg18 : memref<!tpu.dma_semaphore, #tpu.memory_space<semaphore_mem>>) src(%dma_wait3A_76 : memref<10000x256xf32, #tpu.memory_space<hbm>>) dst(%arg12 : memref<40x256xf32, #tpu.memory_space<vmem>>)
      %dma_wait3A_77 = arith.constant 0 : i32
      %dma_wait3A_78 = arith.constant 0 : i32
      %dma_wait3A_79 = tpu.memref_slice %arg3[%dma_wait3A_77, %dma_wait3A_78] : memref<10000x128xf32, #tpu.memory_space<hbm>> -> memref<10000x128xf32, #tpu.memory_space<hbm>>
      tpu.wait_indirect_dma semaphore(%arg19 : memref<!tpu.dma_semaphore, #tpu.memory_space<semaphore_mem>>) src(%dma_wait3A_79 : memref<10000x128xf32, #tpu.memory_space<hbm>>) dst(%arg13 : memref<40x128xf32, #tpu.memory_space<vmem>>)
      %scan3A_80 = arith.constant 0 : i32
      %scan3A_81 = arith.constant 0 : i32
      %scan3A_82 = arith.constant 40 : i32
      %scan3A_83 = arith.addi %scan3A_81, %scan3A_82 : i32
      %scan3A_84 = arith.constant 1 : i32
      scf.for %scan3A_86 = %scan3A_81 to %scan3A_83 step %scan3A_84  : i32 {
        %get3A = arith.index_cast %scan3A_86 : i32 to index
        %get3A_87 = arith.constant 0 : index
        %get3A_88 = tpu.vector_load %arg12[%get3A, %get3A_87] {strides = array<i32>} : memref<40x256xf32, #tpu.memory_space<vmem>>, vector<1x16xf32>,
        %get3A_89 = vector.shape_cast %get3A_88 : vector<1x16xf32> to vector<16xf32>
        %get3A_90 = arith.index_cast %scan3A_86 : i32 to index
        %get3A_91 = arith.constant 0 : index
        %get3A_92 = tpu.vector_load %arg13[%get3A_90, %get3A_91] {strides = array<i32>} : memref<40x128xf32, #tpu.memory_space<vmem>>, vector<1x16xf32>,
        %get3A_93 = vector.shape_cast %get3A_92 : vector<1x16xf32> to vector<16xf32>
        %get3A_94 = arith.index_cast %scan3A_86 : i32 to index
        %get3A_95 = arith.constant 0 : index
        %get3A_96 = tpu.vector_load %arg14[%get3A_94, %get3A_95] {strides = array<i32>} : memref<40x128xf32, #tpu.memory_space<vmem>>, vector<1x16xf32>,
        %get3A_97 = vector.shape_cast %get3A_96 : vector<1x16xf32> to vector<16xf32>
        %mul3A_98 = arith.mulf %get3A_89, %get3A_93 : vector<16xf32>
        %mul3A_99 = arith.mulf %mul3A_98, %get3A_97 : vector<16xf32>
        %get3A_100 = arith.index_cast %scan3A_86 : i32 to index
        %get3A_101 = arith.constant 16 : index
        %get3A_102 = tpu.vector_load %arg12[%get3A_100, %get3A_101] {strides = array<i32>} : memref<40x256xf32, #tpu.memory_space<vmem>>, vector<1x16xf32>,
        %get3A_103 = vector.shape_cast %get3A_102 : vector<1x16xf32> to vector<16xf32>
        %get3A_104 = arith.index_cast %scan3A_86 : i32 to index
        %get3A_105 = arith.constant 16 : index
        %get3A_106 = tpu.vector_load %arg13[%get3A_104, %get3A_105] {strides = array<i32>} : memref<40x128xf32, #tpu.memory_space<vmem>>, vector<1x16xf32>,
        %get3A_107 = vector.shape_cast %get3A_106 : vector<1x16xf32> to vector<16xf32>
        %get3A_108 = arith.index_cast %scan3A_86 : i32 to index
        %get3A_109 = arith.constant 16 : index
        %get3A_110 = tpu.vector_load %arg14[%get3A_108, %get3A_109] {strides = array<i32>} : memref<40x128xf32, #tpu.memory_space<vmem>>, vector<1x16xf32>,
        %get3A_111 = vector.shape_cast %get3A_110 : vector<1x16xf32> to vector<16xf32>
        %mul3A_112 = arith.mulf %get3A_103, %get3A_107 : vector<16xf32>
        %mul3A_113 = arith.mulf %mul3A_112, %get3A_111 : vector<16xf32>
        %get3A_114 = arith.index_cast %scan3A_86 : i32 to index
        %get3A_115 = arith.constant 32 : index
        %get3A_116 = tpu.vector_load %arg12[%get3A_114, %get3A_115] {strides = array<i32>} : memref<40x256xf32, #tpu.memory_space<vmem>>, vector<1x16xf32>,
        %get3A_117 = vector.shape_cast %get3A_116 : vector<1x16xf32> to vector<16xf32>
        %get3A_118 = arith.index_cast %scan3A_86 : i32 to index
        %get3A_119 = arith.constant 32 : index
        %get3A_120 = tpu.vector_load %arg13[%get3A_118, %get3A_119] {strides = array<i32>} : memref<40x128xf32, #tpu.memory_space<vmem>>, vector<1x16xf32>,
        %get3A_121 = vector.shape_cast %get3A_120 : vector<1x16xf32> to vector<16xf32>
        %get3A_122 = arith.index_cast %scan3A_86 : i32 to index
        %get3A_123 = arith.constant 32 : index
        %get3A_124 = tpu.vector_load %arg14[%get3A_122, %get3A_123] {strides = array<i32>} : memref<40x128xf32, #tpu.memory_space<vmem>>, vector<1x16xf32>,
        %get3A_125 = vector.shape_cast %get3A_124 : vector<1x16xf32> to vector<16xf32>
        %mul3A_126 = arith.mulf %get3A_117, %get3A_121 : vector<16xf32>
        %mul3A_127 = arith.mulf %mul3A_126, %get3A_125 : vector<16xf32>
        %get3A_128 = arith.index_cast %scan3A_86 : i32 to index
        %get3A_129 = arith.constant 48 : index
        %get3A_130 = tpu.vector_load %arg12[%get3A_128, %get3A_129] {strides = array<i32>} : memref<40x256xf32, #tpu.memory_space<vmem>>, vector<1x16xf32>,
        %get3A_131 = vector.shape_cast %get3A_130 : vector<1x16xf32> to vector<16xf32>
        %get3A_132 = arith.index_cast %scan3A_86 : i32 to index
        %get3A_133 = arith.constant 48 : index
        %get3A_134 = tpu.vector_load %arg13[%get3A_132, %get3A_133] {strides = array<i32>} : memref<40x128xf32, #tpu.memory_space<vmem>>, vector<1x16xf32>,
        %get3A_135 = vector.shape_cast %get3A_134 : vector<1x16xf32> to vector<16xf32>
        %get3A_136 = arith.index_cast %scan3A_86 : i32 to index
        %get3A_137 = arith.constant 48 : index
        %get3A_138 = tpu.vector_load %arg14[%get3A_136, %get3A_137] {strides = array<i32>} : memref<40x128xf32, #tpu.memory_space<vmem>>, vector<1x16xf32>,
        %get3A_139 = vector.shape_cast %get3A_138 : vector<1x16xf32> to vector<16xf32>
        %mul3A_140 = arith.mulf %get3A_131, %get3A_135 : vector<16xf32>
        %mul3A_141 = arith.mulf %mul3A_140, %get3A_139 : vector<16xf32>
        %get3A_142 = arith.index_cast %scan3A_86 : i32 to index
        %get3A_143 = arith.constant 64 : index
        %get3A_144 = tpu.vector_load %arg12[%get3A_142, %get3A_143] {strides = array<i32>} : memref<40x256xf32, #tpu.memory_space<vmem>>, vector<1x16xf32>,
        %get3A_145 = vector.shape_cast %get3A_144 : vector<1x16xf32> to vector<16xf32>
        %get3A_146 = arith.index_cast %scan3A_86 : i32 to index
        %get3A_147 = arith.constant 64 : index
        %get3A_148 = tpu.vector_load %arg13[%get3A_146, %get3A_147] {strides = array<i32>} : memref<40x128xf32, #tpu.memory_space<vmem>>, vector<1x16xf32>,
        %get3A_149 = vector.shape_cast %get3A_148 : vector<1x16xf32> to vector<16xf32>
        %get3A_150 = arith.index_cast %scan3A_86 : i32 to index
        %get3A_151 = arith.constant 64 : index
        %get3A_152 = tpu.vector_load %arg14[%get3A_150, %get3A_151] {strides = array<i32>} : memref<40x128xf32, #tpu.memory_space<vmem>>, vector<1x16xf32>,
        %get3A_153 = vector.shape_cast %get3A_152 : vector<1x16xf32> to vector<16xf32>
        %mul3A_154 = arith.mulf %get3A_145, %get3A_149 : vector<16xf32>
        %mul3A_155 = arith.mulf %mul3A_154, %get3A_153 : vector<16xf32>
        %get3A_156 = arith.index_cast %scan3A_86 : i32 to index
        %get3A_157 = arith.constant 80 : index
        %get3A_158 = tpu.vector_load %arg12[%get3A_156, %get3A_157] {strides = array<i32>} : memref<40x256xf32, #tpu.memory_space<vmem>>, vector<1x16xf32>,
        %get3A_159 = vector.shape_cast %get3A_158 : vector<1x16xf32> to vector<16xf32>
        %get3A_160 = arith.index_cast %scan3A_86 : i32 to index
        %get3A_161 = arith.constant 80 : index
        %get3A_162 = tpu.vector_load %arg13[%get3A_160, %get3A_161] {strides = array<i32>} : memref<40x128xf32, #tpu.memory_space<vmem>>, vector<1x16xf32>,
        %get3A_163 = vector.shape_cast %get3A_162 : vector<1x16xf32> to vector<16xf32>
        %get3A_164 = arith.index_cast %scan3A_86 : i32 to index
        %get3A_165 = arith.constant 80 : index
        %get3A_166 = tpu.vector_load %arg14[%get3A_164, %get3A_165] {strides = array<i32>} : memref<40x128xf32, #tpu.memory_space<vmem>>, vector<1x16xf32>,
        %get3A_167 = vector.shape_cast %get3A_166 : vector<1x16xf32> to vector<16xf32>
        %mul3A_168 = arith.mulf %get3A_159, %get3A_163 : vector<16xf32>
        %mul3A_169 = arith.mulf %mul3A_168, %get3A_167 : vector<16xf32>
        %get3A_170 = arith.index_cast %scan3A_86 : i32 to index
        %get3A_171 = arith.constant 96 : index
        %get3A_172 = tpu.vector_load %arg12[%get3A_170, %get3A_171] {strides = array<i32>} : memref<40x256xf32, #tpu.memory_space<vmem>>, vector<1x16xf32>,
        %get3A_173 = vector.shape_cast %get3A_172 : vector<1x16xf32> to vector<16xf32>
        %get3A_174 = arith.index_cast %scan3A_86 : i32 to index
        %get3A_175 = arith.constant 96 : index
        %get3A_176 = tpu.vector_load %arg13[%get3A_174, %get3A_175] {strides = array<i32>} : memref<40x128xf32, #tpu.memory_space<vmem>>, vector<1x16xf32>,
        %get3A_177 = vector.shape_cast %get3A_176 : vector<1x16xf32> to vector<16xf32>
        %get3A_178 = arith.index_cast %scan3A_86 : i32 to index
        %get3A_179 = arith.constant 96 : index
        %get3A_180 = tpu.vector_load %arg14[%get3A_178, %get3A_179] {strides = array<i32>} : memref<40x128xf32, #tpu.memory_space<vmem>>, vector<1x16xf32>,
        %get3A_181 = vector.shape_cast %get3A_180 : vector<1x16xf32> to vector<16xf32>
        %mul3A_182 = arith.mulf %get3A_173, %get3A_177 : vector<16xf32>
        %mul3A_183 = arith.mulf %mul3A_182, %get3A_181 : vector<16xf32>
        %get3A_184 = arith.index_cast %scan3A_86 : i32 to index
        %get3A_185 = arith.constant 112 : index
        %get3A_186 = tpu.vector_load %arg12[%get3A_184, %get3A_185] {strides = array<i32>} : memref<40x256xf32, #tpu.memory_space<vmem>>, vector<1x16xf32>,
        %get3A_187 = vector.shape_cast %get3A_186 : vector<1x16xf32> to vector<16xf32>
        %get3A_188 = arith.index_cast %scan3A_86 : i32 to index
        %get3A_189 = arith.constant 112 : index
        %get3A_190 = tpu.vector_load %arg13[%get3A_188, %get3A_189] {strides = array<i32>} : memref<40x128xf32, #tpu.memory_space<vmem>>, vector<1x16xf32>,
        %get3A_191 = vector.shape_cast %get3A_190 : vector<1x16xf32> to vector<16xf32>
        %get3A_192 = arith.index_cast %scan3A_86 : i32 to index
        %get3A_193 = arith.constant 112 : index
        %get3A_194 = tpu.vector_load %arg14[%get3A_192, %get3A_193] {strides = array<i32>} : memref<40x128xf32, #tpu.memory_space<vmem>>, vector<1x16xf32>,
        %get3A_195 = vector.shape_cast %get3A_194 : vector<1x16xf32> to vector<16xf32>
        %mul3A_196 = arith.mulf %get3A_187, %get3A_191 : vector<16xf32>
        %mul3A_197 = arith.mulf %mul3A_196, %get3A_195 : vector<16xf32>
        %xor3A = arith.constant 8 : i32
        %xor3A_198 = vector.broadcast %xor3A : i32 to vector<16xi32>
        %xor3A_199 = arith.xori %iota3A, %xor3A_198 : vector<16xi32>
        %lt3A_200 = arith.constant 0 : i32
        %lt3A_201 = vector.broadcast %lt3A_200 : i32 to vector<16xi32>
        %lt3A_202 = arith.cmpi slt, %xor3A_199, %lt3A_201 : vector<16xi32>
        %add3A_203 = arith.constant 16 : i32
        %add3A_204 = vector.broadcast %add3A_203 : i32 to vector<16xi32>
        %add3A_205 = arith.addi %xor3A_199, %add3A_204 : vector<16xi32>
        %select_n3A_206 = arith.select %lt3A_202, %add3A_205, %xor3A_199 : vector<16xi1>, vector<16xi32>
        %broadcast_in_dim3A = vector.shape_cast %select_n3A_206 : vector<16xi32> to vector<16x1xi32>
        %gather3A = vector.shape_cast %broadcast_in_dim3A : vector<16x1xi32> to vector<16xi32>
        %gather3A_207 = tpu.dynamic_gather %mul3A_99[%gather3A] in [0] : vector<16xf32>, vector<16xi32> -> vector<16xf32>
        %add3A_208 = arith.addf %mul3A_99, %gather3A_207 : vector<16xf32>
        %xor3A_209 = arith.constant 8 : i32
        %xor3A_210 = vector.broadcast %xor3A_209 : i32 to vector<16xi32>
        %xor3A_211 = arith.xori %iota3A, %xor3A_210 : vector<16xi32>
        %lt3A_212 = arith.constant 0 : i32
        %lt3A_213 = vector.broadcast %lt3A_212 : i32 to vector<16xi32>
        %lt3A_214 = arith.cmpi slt, %xor3A_211, %lt3A_213 : vector<16xi32>
        %add3A_215 = arith.constant 16 : i32
        %add3A_216 = vector.broadcast %add3A_215 : i32 to vector<16xi32>
        %add3A_217 = arith.addi %xor3A_211, %add3A_216 : vector<16xi32>
        %select_n3A_218 = arith.select %lt3A_214, %add3A_217, %xor3A_211 : vector<16xi1>, vector<16xi32>
        %broadcast_in_dim3A_219 = vector.shape_cast %select_n3A_218 : vector<16xi32> to vector<16x1xi32>
        %gather3A_220 = vector.shape_cast %broadcast_in_dim3A_219 : vector<16x1xi32> to vector<16xi32>
        %gather3A_221 = tpu.dynamic_gather %mul3A_113[%gather3A_220] in [0] : vector<16xf32>, vector<16xi32> -> vector<16xf32>
        %add3A_222 = arith.addf %mul3A_113, %gather3A_221 : vector<16xf32>
        %lt3A_223 = arith.constant 8 : i32
        %lt3A_224 = vector.broadcast %lt3A_223 : i32 to vector<16xi32>
        %lt3A_225 = arith.cmpi slt, %iota3A, %lt3A_224 : vector<16xi32>
        %select_n3A_226 = arith.select %lt3A_225, %add3A_208, %add3A_222 : vector<16xi1>, vector<16xf32>
        %xor3A_227 = arith.constant 8 : i32
        %xor3A_228 = vector.broadcast %xor3A_227 : i32 to vector<16xi32>
        %xor3A_229 = arith.xori %iota3A, %xor3A_228 : vector<16xi32>
        %lt3A_230 = arith.constant 0 : i32
        %lt3A_231 = vector.broadcast %lt3A_230 : i32 to vector<16xi32>
        %lt3A_232 = arith.cmpi slt, %xor3A_229, %lt3A_231 : vector<16xi32>
        %add3A_233 = arith.constant 16 : i32
        %add3A_234 = vector.broadcast %add3A_233 : i32 to vector<16xi32>
        %add3A_235 = arith.addi %xor3A_229, %add3A_234 : vector<16xi32>
        %select_n3A_236 = arith.select %lt3A_232, %add3A_235, %xor3A_229 : vector<16xi1>, vector<16xi32>
        %broadcast_in_dim3A_237 = vector.shape_cast %select_n3A_236 : vector<16xi32> to vector<16x1xi32>
        %gather3A_238 = vector.shape_cast %broadcast_in_dim3A_237 : vector<16x1xi32> to vector<16xi32>
        %gather3A_239 = tpu.dynamic_gather %mul3A_127[%gather3A_238] in [0] : vector<16xf32>, vector<16xi32> -> vector<16xf32>
        %add3A_240 = arith.addf %mul3A_127, %gather3A_239 : vector<16xf32>
        %xor3A_241 = arith.constant 8 : i32
        %xor3A_242 = vector.broadcast %xor3A_241 : i32 to vector<16xi32>
        %xor3A_243 = arith.xori %iota3A, %xor3A_242 : vector<16xi32>
        %lt3A_244 = arith.constant 0 : i32
        %lt3A_245 = vector.broadcast %lt3A_244 : i32 to vector<16xi32>
        %lt3A_246 = arith.cmpi slt, %xor3A_243, %lt3A_245 : vector<16xi32>
        %add3A_247 = arith.constant 16 : i32
        %add3A_248 = vector.broadcast %add3A_247 : i32 to vector<16xi32>
        %add3A_249 = arith.addi %xor3A_243, %add3A_248 : vector<16xi32>
        %select_n3A_250 = arith.select %lt3A_246, %add3A_249, %xor3A_243 : vector<16xi1>, vector<16xi32>
        %broadcast_in_dim3A_251 = vector.shape_cast %select_n3A_250 : vector<16xi32> to vector<16x1xi32>
        %gather3A_252 = vector.shape_cast %broadcast_in_dim3A_251 : vector<16x1xi32> to vector<16xi32>
        %gather3A_253 = tpu.dynamic_gather %mul3A_141[%gather3A_252] in [0] : vector<16xf32>, vector<16xi32> -> vector<16xf32>
        %add3A_254 = arith.addf %mul3A_141, %gather3A_253 : vector<16xf32>
        %lt3A_255 = arith.constant 8 : i32
        %lt3A_256 = vector.broadcast %lt3A_255 : i32 to vector<16xi32>
        %lt3A_257 = arith.cmpi slt, %iota3A, %lt3A_256 : vector<16xi32>
        %select_n3A_258 = arith.select %lt3A_257, %add3A_240, %add3A_254 : vector<16xi1>, vector<16xf32>
        %xor3A_259 = arith.constant 8 : i32
        %xor3A_260 = vector.broadcast %xor3A_259 : i32 to vector<16xi32>
        %xor3A_261 = arith.xori %iota3A, %xor3A_260 : vector<16xi32>
        %lt3A_262 = arith.constant 0 : i32
        %lt3A_263 = vector.broadcast %lt3A_262 : i32 to vector<16xi32>
        %lt3A_264 = arith.cmpi slt, %xor3A_261, %lt3A_263 : vector<16xi32>
        %add3A_265 = arith.constant 16 : i32
        %add3A_266 = vector.broadcast %add3A_265 : i32 to vector<16xi32>
        %add3A_267 = arith.addi %xor3A_261, %add3A_266 : vector<16xi32>
        %select_n3A_268 = arith.select %lt3A_264, %add3A_267, %xor3A_261 : vector<16xi1>, vector<16xi32>
        %broadcast_in_dim3A_269 = vector.shape_cast %select_n3A_268 : vector<16xi32> to vector<16x1xi32>
        %gather3A_270 = vector.shape_cast %broadcast_in_dim3A_269 : vector<16x1xi32> to vector<16xi32>
        %gather3A_271 = tpu.dynamic_gather %mul3A_155[%gather3A_270] in [0] : vector<16xf32>, vector<16xi32> -> vector<16xf32>
        %add3A_272 = arith.addf %mul3A_155, %gather3A_271 : vector<16xf32>
        %xor3A_273 = arith.constant 8 : i32
        %xor3A_274 = vector.broadcast %xor3A_273 : i32 to vector<16xi32>
        %xor3A_275 = arith.xori %iota3A, %xor3A_274 : vector<16xi32>
        %lt3A_276 = arith.constant 0 : i32
        %lt3A_277 = vector.broadcast %lt3A_276 : i32 to vector<16xi32>
        %lt3A_278 = arith.cmpi slt, %xor3A_275, %lt3A_277 : vector<16xi32>
        %add3A_279 = arith.constant 16 : i32
        %add3A_280 = vector.broadcast %add3A_279 : i32 to vector<16xi32>
        %add3A_281 = arith.addi %xor3A_275, %add3A_280 : vector<16xi32>
        %select_n3A_282 = arith.select %lt3A_278, %add3A_281, %xor3A_275 : vector<16xi1>, vector<16xi32>
        %broadcast_in_dim3A_283 = vector.shape_cast %select_n3A_282 : vector<16xi32> to vector<16x1xi32>
        %gather3A_284 = vector.shape_cast %broadcast_in_dim3A_283 : vector<16x1xi32> to vector<16xi32>
        %gather3A_285 = tpu.dynamic_gather %mul3A_169[%gather3A_284] in [0] : vector<16xf32>, vector<16xi32> -> vector<16xf32>
        %add3A_286 = arith.addf %mul3A_169, %gather3A_285 : vector<16xf32>
        %lt3A_287 = arith.constant 8 : i32
        %lt3A_288 = vector.broadcast %lt3A_287 : i32 to vector<16xi32>
        %lt3A_289 = arith.cmpi slt, %iota3A, %lt3A_288 : vector<16xi32>
        %select_n3A_290 = arith.select %lt3A_289, %add3A_272, %add3A_286 : vector<16xi1>, vector<16xf32>
        %xor3A_291 = arith.constant 8 : i32
        %xor3A_292 = vector.broadcast %xor3A_291 : i32 to vector<16xi32>
        %xor3A_293 = arith.xori %iota3A, %xor3A_292 : vector<16xi32>
        %lt3A_294 = arith.constant 0 : i32
        %lt3A_295 = vector.broadcast %lt3A_294 : i32 to vector<16xi32>
        %lt3A_296 = arith.cmpi slt, %xor3A_293, %lt3A_295 : vector<16xi32>
        %add3A_297 = arith.constant 16 : i32
        %add3A_298 = vector.broadcast %add3A_297 : i32 to vector<16xi32>
        %add3A_299 = arith.addi %xor3A_293, %add3A_298 : vector<16xi32>
        %select_n3A_300 = arith.select %lt3A_296, %add3A_299, %xor3A_293 : vector<16xi1>, vector<16xi32>
        %broadcast_in_dim3A_301 = vector.shape_cast %select_n3A_300 : vector<16xi32> to vector<16x1xi32>
        %gather3A_302 = vector.shape_cast %broadcast_in_dim3A_301 : vector<16x1xi32> to vector<16xi32>
        %gather3A_303 = tpu.dynamic_gather %mul3A_183[%gather3A_302] in [0] : vector<16xf32>, vector<16xi32> -> vector<16xf32>
        %add3A_304 = arith.addf %mul3A_183, %gather3A_303 : vector<16xf32>
        %xor3A_305 = arith.constant 8 : i32
        %xor3A_306 = vector.broadcast %xor3A_305 : i32 to vector<16xi32>
        %xor3A_307 = arith.xori %iota3A, %xor3A_306 : vector<16xi32>
        %lt3A_308 = arith.constant 0 : i32
        %lt3A_309 = vector.broadcast %lt3A_308 : i32 to vector<16xi32>
        %lt3A_310 = arith.cmpi slt, %xor3A_307, %lt3A_309 : vector<16xi32>
        %add3A_311 = arith.constant 16 : i32
        %add3A_312 = vector.broadcast %add3A_311 : i32 to vector<16xi32>
        %add3A_313 = arith.addi %xor3A_307, %add3A_312 : vector<16xi32>
        %select_n3A_314 = arith.select %lt3A_310, %add3A_313, %xor3A_307 : vector<16xi1>, vector<16xi32>
        %broadcast_in_dim3A_315 = vector.shape_cast %select_n3A_314 : vector<16xi32> to vector<16x1xi32>
        %gather3A_316 = vector.shape_cast %broadcast_in_dim3A_315 : vector<16x1xi32> to vector<16xi32>
        %gather3A_317 = tpu.dynamic_gather %mul3A_197[%gather3A_316] in [0] : vector<16xf32>, vector<16xi32> -> vector<16xf32>
        %add3A_318 = arith.addf %mul3A_197, %gather3A_317 : vector<16xf32>
        %lt3A_319 = arith.constant 8 : i32
        %lt3A_320 = vector.broadcast %lt3A_319 : i32 to vector<16xi32>
        %lt3A_321 = arith.cmpi slt, %iota3A, %lt3A_320 : vector<16xi32>
        %select_n3A_322 = arith.select %lt3A_321, %add3A_304, %add3A_318 : vector<16xi1>, vector<16xf32>
        %xor3A_323 = arith.constant 4 : i32
        %xor3A_324 = vector.broadcast %xor3A_323 : i32 to vector<16xi32>
        %xor3A_325 = arith.xori %iota3A, %xor3A_324 : vector<16xi32>
        %lt3A_326 = arith.constant 0 : i32
        %lt3A_327 = vector.broadcast %lt3A_326 : i32 to vector<16xi32>
        %lt3A_328 = arith.cmpi slt, %xor3A_325, %lt3A_327 : vector<16xi32>
        %add3A_329 = arith.constant 16 : i32
        %add3A_330 = vector.broadcast %add3A_329 : i32 to vector<16xi32>
        %add3A_331 = arith.addi %xor3A_325, %add3A_330 : vector<16xi32>
        %select_n3A_332 = arith.select %lt3A_328, %add3A_331, %xor3A_325 : vector<16xi1>, vector<16xi32>
        %broadcast_in_dim3A_333 = vector.shape_cast %select_n3A_332 : vector<16xi32> to vector<16x1xi32>
        %gather3A_334 = vector.shape_cast %broadcast_in_dim3A_333 : vector<16x1xi32> to vector<16xi32>
        %gather3A_335 = tpu.dynamic_gather %select_n3A_226[%gather3A_334] in [0] : vector<16xf32>, vector<16xi32> -> vector<16xf32>
        %add3A_336 = arith.addf %select_n3A_226, %gather3A_335 : vector<16xf32>
        %xor3A_337 = arith.constant 4 : i32
        %xor3A_338 = vector.broadcast %xor3A_337 : i32 to vector<16xi32>
        %xor3A_339 = arith.xori %iota3A, %xor3A_338 : vector<16xi32>
        %lt3A_340 = arith.constant 0 : i32
        %lt3A_341 = vector.broadcast %lt3A_340 : i32 to vector<16xi32>
        %lt3A_342 = arith.cmpi slt, %xor3A_339, %lt3A_341 : vector<16xi32>
        %add3A_343 = arith.constant 16 : i32
        %add3A_344 = vector.broadcast %add3A_343 : i32 to vector<16xi32>
        %add3A_345 = arith.addi %xor3A_339, %add3A_344 : vector<16xi32>
        %select_n3A_346 = arith.select %lt3A_342, %add3A_345, %xor3A_339 : vector<16xi1>, vector<16xi32>
        %broadcast_in_dim3A_347 = vector.shape_cast %select_n3A_346 : vector<16xi32> to vector<16x1xi32>
        %gather3A_348 = vector.shape_cast %broadcast_in_dim3A_347 : vector<16x1xi32> to vector<16xi32>
        %gather3A_349 = tpu.dynamic_gather %select_n3A_258[%gather3A_348] in [0] : vector<16xf32>, vector<16xi32> -> vector<16xf32>
        %add3A_350 = arith.addf %select_n3A_258, %gather3A_349 : vector<16xf32>
        %lt3A_351 = arith.constant 8 : i32
        %lt3A_352 = vector.broadcast %lt3A_351 : i32 to vector<16xi32>
        %lt3A_353 = arith.cmpi slt, %iota3A, %lt3A_352 : vector<16xi32>
        %lt3A_354 = arith.constant 0 : i32
        %lt3A_355 = vector.broadcast %lt3A_354 : i32 to vector<16xi32>
        %lt3A_356 = arith.cmpi slt, %and3A_9, %lt3A_355 : vector<16xi32>
        %add3A_357 = arith.constant 16 : i32
        %add3A_358 = vector.broadcast %add3A_357 : i32 to vector<16xi32>
        %add3A_359 = arith.addi %and3A_9, %add3A_358 : vector<16xi32>
        %select_n3A_360 = arith.select %lt3A_356, %add3A_359, %and3A_9 : vector<16xi1>, vector<16xi32>
        %broadcast_in_dim3A_361 = vector.shape_cast %select_n3A_360 : vector<16xi32> to vector<16x1xi32>
        %gather3A_362 = vector.shape_cast %broadcast_in_dim3A_361 : vector<16x1xi32> to vector<16xi32>
        %gather3A_363 = tpu.dynamic_gather %add3A_336[%gather3A_362] in [0] : vector<16xf32>, vector<16xi32> -> vector<16xf32>
        %lt3A_364 = arith.constant 0 : i32
        %lt3A_365 = vector.broadcast %lt3A_364 : i32 to vector<16xi32>
        %lt3A_366 = arith.cmpi slt, %select_n3A_24, %lt3A_365 : vector<16xi32>
        %add3A_367 = arith.constant 16 : i32
        %add3A_368 = vector.broadcast %add3A_367 : i32 to vector<16xi32>
        %add3A_369 = arith.addi %select_n3A_24, %add3A_368 : vector<16xi32>
        %select_n3A_370 = arith.select %lt3A_366, %add3A_369, %select_n3A_24 : vector<16xi1>, vector<16xi32>
        %broadcast_in_dim3A_371 = vector.shape_cast %select_n3A_370 : vector<16xi32> to vector<16x1xi32>
        %gather3A_372 = vector.shape_cast %broadcast_in_dim3A_371 : vector<16x1xi32> to vector<16xi32>
        %gather3A_373 = tpu.dynamic_gather %add3A_350[%gather3A_372] in [0] : vector<16xf32>, vector<16xi32> -> vector<16xf32>
        %select_n3A_374 = arith.select %lt3A_353, %gather3A_363, %gather3A_373 : vector<16xi1>, vector<16xf32>
        %xor3A_375 = arith.constant 4 : i32
        %xor3A_376 = vector.broadcast %xor3A_375 : i32 to vector<16xi32>
        %xor3A_377 = arith.xori %iota3A, %xor3A_376 : vector<16xi32>
        %lt3A_378 = arith.constant 0 : i32
        %lt3A_379 = vector.broadcast %lt3A_378 : i32 to vector<16xi32>
        %lt3A_380 = arith.cmpi slt, %xor3A_377, %lt3A_379 : vector<16xi32>
        %add3A_381 = arith.constant 16 : i32
        %add3A_382 = vector.broadcast %add3A_381 : i32 to vector<16xi32>
        %add3A_383 = arith.addi %xor3A_377, %add3A_382 : vector<16xi32>
        %select_n3A_384 = arith.select %lt3A_380, %add3A_383, %xor3A_377 : vector<16xi1>, vector<16xi32>
        %broadcast_in_dim3A_385 = vector.shape_cast %select_n3A_384 : vector<16xi32> to vector<16x1xi32>
        %gather3A_386 = vector.shape_cast %broadcast_in_dim3A_385 : vector<16x1xi32> to vector<16xi32>
        %gather3A_387 = tpu.dynamic_gather %select_n3A_290[%gather3A_386] in [0] : vector<16xf32>, vector<16xi32> -> vector<16xf32>
        %add3A_388 = arith.addf %select_n3A_290, %gather3A_387 : vector<16xf32>
        %xor3A_389 = arith.constant 4 : i32
        %xor3A_390 = vector.broadcast %xor3A_389 : i32 to vector<16xi32>
        %xor3A_391 = arith.xori %iota3A, %xor3A_390 : vector<16xi32>
        %lt3A_392 = arith.constant 0 : i32
        %lt3A_393 = vector.broadcast %lt3A_392 : i32 to vector<16xi32>
        %lt3A_394 = arith.cmpi slt, %xor3A_391, %lt3A_393 : vector<16xi32>
        %add3A_395 = arith.constant 16 : i32
        %add3A_396 = vector.broadcast %add3A_395 : i32 to vector<16xi32>
        %add3A_397 = arith.addi %xor3A_391, %add3A_396 : vector<16xi32>
        %select_n3A_398 = arith.select %lt3A_394, %add3A_397, %xor3A_391 : vector<16xi1>, vector<16xi32>
        %broadcast_in_dim3A_399 = vector.shape_cast %select_n3A_398 : vector<16xi32> to vector<16x1xi32>
        %gather3A_400 = vector.shape_cast %broadcast_in_dim3A_399 : vector<16x1xi32> to vector<16xi32>
        %gather3A_401 = tpu.dynamic_gather %select_n3A_322[%gather3A_400] in [0] : vector<16xf32>, vector<16xi32> -> vector<16xf32>
        %add3A_402 = arith.addf %select_n3A_322, %gather3A_401 : vector<16xf32>
        %lt3A_403 = arith.constant 8 : i32
        %lt3A_404 = vector.broadcast %lt3A_403 : i32 to vector<16xi32>
        %lt3A_405 = arith.cmpi slt, %iota3A, %lt3A_404 : vector<16xi32>
        %lt3A_406 = arith.constant 0 : i32
        %lt3A_407 = vector.broadcast %lt3A_406 : i32 to vector<16xi32>
        %lt3A_408 = arith.cmpi slt, %and3A_9, %lt3A_407 : vector<16xi32>
        %add3A_409 = arith.constant 16 : i32
        %add3A_410 = vector.broadcast %add3A_409 : i32 to vector<16xi32>
        %add3A_411 = arith.addi %and3A_9, %add3A_410 : vector<16xi32>
        %select_n3A_412 = arith.select %lt3A_408, %add3A_411, %and3A_9 : vector<16xi1>, vector<16xi32>
        %broadcast_in_dim3A_413 = vector.shape_cast %select_n3A_412 : vector<16xi32> to vector<16x1xi32>
        %gather3A_414 = vector.shape_cast %broadcast_in_dim3A_413 : vector<16x1xi32> to vector<16xi32>
        %gather3A_415 = tpu.dynamic_gather %add3A_388[%gather3A_414] in [0] : vector<16xf32>, vector<16xi32> -> vector<16xf32>
        %lt3A_416 = arith.constant 0 : i32
        %lt3A_417 = vector.broadcast %lt3A_416 : i32 to vector<16xi32>
        %lt3A_418 = arith.cmpi slt, %select_n3A_24, %lt3A_417 : vector<16xi32>
        %add3A_419 = arith.constant 16 : i32
        %add3A_420 = vector.broadcast %add3A_419 : i32 to vector<16xi32>
        %add3A_421 = arith.addi %select_n3A_24, %add3A_420 : vector<16xi32>
        %select_n3A_422 = arith.select %lt3A_418, %add3A_421, %select_n3A_24 : vector<16xi1>, vector<16xi32>
        %broadcast_in_dim3A_423 = vector.shape_cast %select_n3A_422 : vector<16xi32> to vector<16x1xi32>
        %gather3A_424 = vector.shape_cast %broadcast_in_dim3A_423 : vector<16x1xi32> to vector<16xi32>
        %gather3A_425 = tpu.dynamic_gather %add3A_402[%gather3A_424] in [0] : vector<16xf32>, vector<16xi32> -> vector<16xf32>
        %select_n3A_426 = arith.select %lt3A_405, %gather3A_415, %gather3A_425 : vector<16xi1>, vector<16xf32>
        %xor3A_427 = arith.constant 2 : i32
        %xor3A_428 = vector.broadcast %xor3A_427 : i32 to vector<16xi32>
        %xor3A_429 = arith.xori %iota3A, %xor3A_428 : vector<16xi32>
        %lt3A_430 = arith.constant 0 : i32
        %lt3A_431 = vector.broadcast %lt3A_430 : i32 to vector<16xi32>
        %lt3A_432 = arith.cmpi slt, %xor3A_429, %lt3A_431 : vector<16xi32>
        %add3A_433 = arith.constant 16 : i32
        %add3A_434 = vector.broadcast %add3A_433 : i32 to vector<16xi32>
        %add3A_435 = arith.addi %xor3A_429, %add3A_434 : vector<16xi32>
        %select_n3A_436 = arith.select %lt3A_432, %add3A_435, %xor3A_429 : vector<16xi1>, vector<16xi32>
        %broadcast_in_dim3A_437 = vector.shape_cast %select_n3A_436 : vector<16xi32> to vector<16x1xi32>
        %gather3A_438 = vector.shape_cast %broadcast_in_dim3A_437 : vector<16x1xi32> to vector<16xi32>
        %gather3A_439 = tpu.dynamic_gather %select_n3A_374[%gather3A_438] in [0] : vector<16xf32>, vector<16xi32> -> vector<16xf32>
        %add3A_440 = arith.addf %select_n3A_374, %gather3A_439 : vector<16xf32>
        %xor3A_441 = arith.constant 2 : i32
        %xor3A_442 = vector.broadcast %xor3A_441 : i32 to vector<16xi32>
        %xor3A_443 = arith.xori %iota3A, %xor3A_442 : vector<16xi32>
        %lt3A_444 = arith.constant 0 : i32
        %lt3A_445 = vector.broadcast %lt3A_444 : i32 to vector<16xi32>
        %lt3A_446 = arith.cmpi slt, %xor3A_443, %lt3A_445 : vector<16xi32>
        %add3A_447 = arith.constant 16 : i32
        %add3A_448 = vector.broadcast %add3A_447 : i32 to vector<16xi32>
        %add3A_449 = arith.addi %xor3A_443, %add3A_448 : vector<16xi32>
        %select_n3A_450 = arith.select %lt3A_446, %add3A_449, %xor3A_443 : vector<16xi1>, vector<16xi32>
        %broadcast_in_dim3A_451 = vector.shape_cast %select_n3A_450 : vector<16xi32> to vector<16x1xi32>
        %gather3A_452 = vector.shape_cast %broadcast_in_dim3A_451 : vector<16x1xi32> to vector<16xi32>
        %gather3A_453 = tpu.dynamic_gather %select_n3A_426[%gather3A_452] in [0] : vector<16xf32>, vector<16xi32> -> vector<16xf32>
        %add3A_454 = arith.addf %select_n3A_426, %gather3A_453 : vector<16xf32>
        %lt3A_455 = arith.constant 8 : i32
        %lt3A_456 = vector.broadcast %lt3A_455 : i32 to vector<16xi32>
        %lt3A_457 = arith.cmpi slt, %iota3A, %lt3A_456 : vector<16xi32>
        %lt3A_458 = arith.constant 0 : i32
        %lt3A_459 = vector.broadcast %lt3A_458 : i32 to vector<16xi32>
        %lt3A_460 = arith.cmpi slt, %and3A_34, %lt3A_459 : vector<16xi32>
        %add3A_461 = arith.constant 16 : i32
        %add3A_462 = vector.broadcast %add3A_461 : i32 to vector<16xi32>
        %add3A_463 = arith.addi %and3A_34, %add3A_462 : vector<16xi32>
        %select_n3A_464 = arith.select %lt3A_460, %add3A_463, %and3A_34 : vector<16xi1>, vector<16xi32>
        %broadcast_in_dim3A_465 = vector.shape_cast %select_n3A_464 : vector<16xi32> to vector<16x1xi32>
        %gather3A_466 = vector.shape_cast %broadcast_in_dim3A_465 : vector<16x1xi32> to vector<16xi32>
        %gather3A_467 = tpu.dynamic_gather %add3A_440[%gather3A_466] in [0] : vector<16xf32>, vector<16xi32> -> vector<16xf32>
        %lt3A_468 = arith.constant 0 : i32
        %lt3A_469 = vector.broadcast %lt3A_468 : i32 to vector<16xi32>
        %lt3A_470 = arith.cmpi slt, %and3A_50, %lt3A_469 : vector<16xi32>
        %add3A_471 = arith.constant 16 : i32
        %add3A_472 = vector.broadcast %add3A_471 : i32 to vector<16xi32>
        %add3A_473 = arith.addi %and3A_50, %add3A_472 : vector<16xi32>
        %select_n3A_474 = arith.select %lt3A_470, %add3A_473, %and3A_50 : vector<16xi1>, vector<16xi32>
        %broadcast_in_dim3A_475 = vector.shape_cast %select_n3A_474 : vector<16xi32> to vector<16x1xi32>
        %gather3A_476 = vector.shape_cast %broadcast_in_dim3A_475 : vector<16x1xi32> to vector<16xi32>
        %gather3A_477 = tpu.dynamic_gather %add3A_454[%gather3A_476] in [0] : vector<16xf32>, vector<16xi32> -> vector<16xf32>
        %select_n3A_478 = arith.select %lt3A_457, %gather3A_467, %gather3A_477 : vector<16xi1>, vector<16xf32>
        %xor3A_479 = arith.constant 1 : i32
        %xor3A_480 = vector.broadcast %xor3A_479 : i32 to vector<16xi32>
        %xor3A_481 = arith.xori %iota3A, %xor3A_480 : vector<16xi32>
        %lt3A_482 = arith.constant 0 : i32
        %lt3A_483 = vector.broadcast %lt3A_482 : i32 to vector<16xi32>
        %lt3A_484 = arith.cmpi slt, %xor3A_481, %lt3A_483 : vector<16xi32>
        %add3A_485 = arith.constant 16 : i32
        %add3A_486 = vector.broadcast %add3A_485 : i32 to vector<16xi32>
        %add3A_487 = arith.addi %xor3A_481, %add3A_486 : vector<16xi32>
        %select_n3A_488 = arith.select %lt3A_484, %add3A_487, %xor3A_481 : vector<16xi1>, vector<16xi32>
        %broadcast_in_dim3A_489 = vector.shape_cast %select_n3A_488 : vector<16xi32> to vector<16x1xi32>
        %gather3A_490 = vector.shape_cast %broadcast_in_dim3A_489 : vector<16x1xi32> to vector<16xi32>
        %gather3A_491 = tpu.dynamic_gather %select_n3A_478[%gather3A_490] in [0] : vector<16xf32>, vector<16xi32> -> vector<16xf32>
        %add3A_492 = arith.addf %select_n3A_478, %gather3A_491 : vector<16xf32>
        %lt3A_493 = arith.constant 0 : i32
        %lt3A_494 = vector.broadcast %lt3A_493 : i32 to vector<16xi32>
        %lt3A_495 = arith.cmpi slt, %mul3A_56, %lt3A_494 : vector<16xi32>
        %add3A_496 = arith.constant 16 : i32
        %add3A_497 = vector.broadcast %add3A_496 : i32 to vector<16xi32>
        %add3A_498 = arith.addi %mul3A_56, %add3A_497 : vector<16xi32>
        %select_n3A_499 = arith.select %lt3A_495, %add3A_498, %mul3A_56 : vector<16xi1>, vector<16xi32>
        %broadcast_in_dim3A_500 = vector.shape_cast %select_n3A_499 : vector<16xi32> to vector<16x1xi32>
        %gather3A_501 = vector.shape_cast %broadcast_in_dim3A_500 : vector<16x1xi32> to vector<16xi32>
        %gather3A_502 = tpu.dynamic_gather %add3A_492[%gather3A_501] in [0] : vector<16xf32>, vector<16xi32> -> vector<16xf32>
        %mul3A_503 = arith.constant 2.500000e-01 : f32
        %mul3A_504 = vector.broadcast %mul3A_503 : f32 to vector<16xf32>
        %mul3A_505 = arith.mulf %gather3A_502, %mul3A_504 : vector<16xf32>
        %jit3A = arith.constant -5.000000e+00 : f32
        %jit3A_506 = arith.constant 5.000000e+00 : f32
        %max3A = vector.broadcast %jit3A : f32 to vector<16xf32>
        %max3A_507 = arith.maximumf %max3A, %mul3A_505 : vector<16xf32>
        %min3A = vector.broadcast %jit3A_506 : f32 to vector<16xf32>
        %min3A_508 = arith.minimumf %min3A, %max3A_507 : vector<16xf32>
        %exp3A = math.exp %min3A_508 : vector<16xf32>
        %get3A_509 = arith.index_cast %scan3A_86 : i32 to index
        %get3A_510 = arith.constant 128 : index
        %get3A_511 = tpu.vector_load %arg12[%get3A_509, %get3A_510] {strides = array<i32>} : memref<40x256xf32, #tpu.memory_space<vmem>>, vector<1x16xf32>,
        %get3A_512 = vector.shape_cast %get3A_511 : vector<1x16xf32> to vector<16xf32>
        %mul3A_513 = arith.constant 0 : i32
        %mul3A_514 = vector.broadcast %mul3A_513 : i32 to vector<16xi32>
        %mul3A_515 = arith.muli %iota3A, %mul3A_514 : vector<16xi32>
        %add3A_516 = arith.constant 0 : i32
        %add3A_517 = vector.broadcast %add3A_516 : i32 to vector<16xi32>
        %add3A_518 = arith.addi %mul3A_515, %add3A_517 : vector<16xi32>
        %lt3A_519 = arith.constant 0 : i32
        %lt3A_520 = vector.broadcast %lt3A_519 : i32 to vector<16xi32>
        %lt3A_521 = arith.cmpi slt, %add3A_518, %lt3A_520 : vector<16xi32>
        %add3A_522 = arith.constant 16 : i32
        %add3A_523 = vector.broadcast %add3A_522 : i32 to vector<16xi32>
        %add3A_524 = arith.addi %add3A_518, %add3A_523 : vector<16xi32>
        %select_n3A_525 = arith.select %lt3A_521, %add3A_524, %add3A_518 : vector<16xi1>, vector<16xi32>
        %broadcast_in_dim3A_526 = vector.shape_cast %select_n3A_525 : vector<16xi32> to vector<16x1xi32>
        %gather3A_527 = vector.shape_cast %broadcast_in_dim3A_526 : vector<16x1xi32> to vector<16xi32>
        %gather3A_528 = tpu.dynamic_gather %exp3A[%gather3A_527] in [0] : vector<16xf32>, vector<16xi32> -> vector<16xf32>
        %mul3A_529 = arith.mulf %get3A_512, %gather3A_528 : vector<16xf32>
        %swap3A = arith.index_cast %scan3A_86 : i32 to index
        %swap3A_530 = arith.constant 0 : index
        %swap3A_531 = tpu.vector_load %arg15[%swap3A, %swap3A_530] {strides = array<i32>} : memref<40x128xf32, #tpu.memory_space<vmem>>, vector<1x16xf32>,
        %swap3A_532 = vector.shape_cast %swap3A_531 : vector<1x16xf32> to vector<16xf32>
        %swap3A_533 = vector.shape_cast %mul3A_529 : vector<16xf32> to vector<1x16xf32>
        tpu.vector_store %arg15[%swap3A, %swap3A_530], %swap3A_533 {strides = array<i32>} : memref<40x128xf32, #tpu.memory_space<vmem>>, vector<1x16xf32>,
        %get3A_534 = arith.index_cast %scan3A_86 : i32 to index
        %get3A_535 = arith.constant 144 : index
        %get3A_536 = tpu.vector_load %arg12[%get3A_534, %get3A_535] {strides = array<i32>} : memref<40x256xf32, #tpu.memory_space<vmem>>, vector<1x16xf32>,
        %get3A_537 = vector.shape_cast %get3A_536 : vector<1x16xf32> to vector<16xf32>
        %mul3A_538 = arith.constant 0 : i32
        %mul3A_539 = vector.broadcast %mul3A_538 : i32 to vector<16xi32>
        %mul3A_540 = arith.muli %iota3A, %mul3A_539 : vector<16xi32>
        %add3A_541 = arith.constant 1 : i32
        %add3A_542 = vector.broadcast %add3A_541 : i32 to vector<16xi32>
        %add3A_543 = arith.addi %mul3A_540, %add3A_542 : vector<16xi32>
        %lt3A_544 = arith.constant 0 : i32
        %lt3A_545 = vector.broadcast %lt3A_544 : i32 to vector<16xi32>
        %lt3A_546 = arith.cmpi slt, %add3A_543, %lt3A_545 : vector<16xi32>
        %add3A_547 = arith.constant 16 : i32
        %add3A_548 = vector.broadcast %add3A_547 : i32 to vector<16xi32>
        %add3A_549 = arith.addi %add3A_543, %add3A_548 : vector<16xi32>
        %select_n3A_550 = arith.select %lt3A_546, %add3A_549, %add3A_543 : vector<16xi1>, vector<16xi32>
        %broadcast_in_dim3A_551 = vector.shape_cast %select_n3A_550 : vector<16xi32> to vector<16x1xi32>
        %gather3A_552 = vector.shape_cast %broadcast_in_dim3A_551 : vector<16x1xi32> to vector<16xi32>
        %gather3A_553 = tpu.dynamic_gather %exp3A[%gather3A_552] in [0] : vector<16xf32>, vector<16xi32> -> vector<16xf32>
        %mul3A_554 = arith.mulf %get3A_537, %gather3A_553 : vector<16xf32>
        %swap3A_555 = arith.index_cast %scan3A_86 : i32 to index
        %swap3A_556 = arith.constant 16 : index
        %swap3A_557 = tpu.vector_load %arg15[%swap3A_555, %swap3A_556] {strides = array<i32>} : memref<40x128xf32, #tpu.memory_space<vmem>>, vector<1x16xf32>,
        %swap3A_558 = vector.shape_cast %swap3A_557 : vector<1x16xf32> to vector<16xf32>
        %swap3A_559 = vector.shape_cast %mul3A_554 : vector<16xf32> to vector<1x16xf32>
        tpu.vector_store %arg15[%swap3A_555, %swap3A_556], %swap3A_559 {strides = array<i32>} : memref<40x128xf32, #tpu.memory_space<vmem>>, vector<1x16xf32>,
        %get3A_560 = arith.index_cast %scan3A_86 : i32 to index
        %get3A_561 = arith.constant 160 : index
        %get3A_562 = tpu.vector_load %arg12[%get3A_560, %get3A_561] {strides = array<i32>} : memref<40x256xf32, #tpu.memory_space<vmem>>, vector<1x16xf32>,
        %get3A_563 = vector.shape_cast %get3A_562 : vector<1x16xf32> to vector<16xf32>
        %mul3A_564 = arith.constant 0 : i32
        %mul3A_565 = vector.broadcast %mul3A_564 : i32 to vector<16xi32>
        %mul3A_566 = arith.muli %iota3A, %mul3A_565 : vector<16xi32>
        %add3A_567 = arith.constant 2 : i32
        %add3A_568 = vector.broadcast %add3A_567 : i32 to vector<16xi32>
        %add3A_569 = arith.addi %mul3A_566, %add3A_568 : vector<16xi32>
        %lt3A_570 = arith.constant 0 : i32
        %lt3A_571 = vector.broadcast %lt3A_570 : i32 to vector<16xi32>
        %lt3A_572 = arith.cmpi slt, %add3A_569, %lt3A_571 : vector<16xi32>
        %add3A_573 = arith.constant 16 : i32
        %add3A_574 = vector.broadcast %add3A_573 : i32 to vector<16xi32>
        %add3A_575 = arith.addi %add3A_569, %add3A_574 : vector<16xi32>
        %select_n3A_576 = arith.select %lt3A_572, %add3A_575, %add3A_569 : vector<16xi1>, vector<16xi32>
        %broadcast_in_dim3A_577 = vector.shape_cast %select_n3A_576 : vector<16xi32> to vector<16x1xi32>
        %gather3A_578 = vector.shape_cast %broadcast_in_dim3A_577 : vector<16x1xi32> to vector<16xi32>
        %gather3A_579 = tpu.dynamic_gather %exp3A[%gather3A_578] in [0] : vector<16xf32>, vector<16xi32> -> vector<16xf32>
        %mul3A_580 = arith.mulf %get3A_563, %gather3A_579 : vector<16xf32>
        %swap3A_581 = arith.index_cast %scan3A_86 : i32 to index
        %swap3A_582 = arith.constant 32 : index
        %swap3A_583 = tpu.vector_load %arg15[%swap3A_581, %swap3A_582] {strides = array<i32>} : memref<40x128xf32, #tpu.memory_space<vmem>>, vector<1x16xf32>,
        %swap3A_584 = vector.shape_cast %swap3A_583 : vector<1x16xf32> to vector<16xf32>
        %swap3A_585 = vector.shape_cast %mul3A_580 : vector<16xf32> to vector<1x16xf32>
        tpu.vector_store %arg15[%swap3A_581, %swap3A_582], %swap3A_585 {strides = array<i32>} : memref<40x128xf32, #tpu.memory_space<vmem>>, vector<1x16xf32>,
        %get3A_586 = arith.index_cast %scan3A_86 : i32 to index
        %get3A_587 = arith.constant 176 : index
        %get3A_588 = tpu.vector_load %arg12[%get3A_586, %get3A_587] {strides = array<i32>} : memref<40x256xf32, #tpu.memory_space<vmem>>, vector<1x16xf32>,
        %get3A_589 = vector.shape_cast %get3A_588 : vector<1x16xf32> to vector<16xf32>
        %mul3A_590 = arith.constant 0 : i32
        %mul3A_591 = vector.broadcast %mul3A_590 : i32 to vector<16xi32>
        %mul3A_592 = arith.muli %iota3A, %mul3A_591 : vector<16xi32>
        %add3A_593 = arith.constant 3 : i32
        %add3A_594 = vector.broadcast %add3A_593 : i32 to vector<16xi32>
        %add3A_595 = arith.addi %mul3A_592, %add3A_594 : vector<16xi32>
        %lt3A_596 = arith.constant 0 : i32
        %lt3A_597 = vector.broadcast %lt3A_596 : i32 to vector<16xi32>
        %lt3A_598 = arith.cmpi slt, %add3A_595, %lt3A_597 : vector<16xi32>
        %add3A_599 = arith.constant 16 : i32
        %add3A_600 = vector.broadcast %add3A_599 : i32 to vector<16xi32>
        %add3A_601 = arith.addi %add3A_595, %add3A_600 : vector<16xi32>
        %select_n3A_602 = arith.select %lt3A_598, %add3A_601, %add3A_595 : vector<16xi1>, vector<16xi32>
        %broadcast_in_dim3A_603 = vector.shape_cast %select_n3A_602 : vector<16xi32> to vector<16x1xi32>
        %gather3A_604 = vector.shape_cast %broadcast_in_dim3A_603 : vector<16x1xi32> to vector<16xi32>
        %gather3A_605 = tpu.dynamic_gather %exp3A[%gather3A_604] in [0] : vector<16xf32>, vector<16xi32> -> vector<16xf32>
        %mul3A_606 = arith.mulf %get3A_589, %gather3A_605 : vector<16xf32>
        %swap3A_607 = arith.index_cast %scan3A_86 : i32 to index
        %swap3A_608 = arith.constant 48 : index
        %swap3A_609 = tpu.vector_load %arg15[%swap3A_607, %swap3A_608] {strides = array<i32>} : memref<40x128xf32, #tpu.memory_space<vmem>>, vector<1x16xf32>,
        %swap3A_610 = vector.shape_cast %swap3A_609 : vector<1x16xf32> to vector<16xf32>
        %swap3A_611 = vector.shape_cast %mul3A_606 : vector<16xf32> to vector<1x16xf32>
        tpu.vector_store %arg15[%swap3A_607, %swap3A_608], %swap3A_611 {strides = array<i32>} : memref<40x128xf32, #tpu.memory_space<vmem>>, vector<1x16xf32>,
        %get3A_612 = arith.index_cast %scan3A_86 : i32 to index
        %get3A_613 = arith.constant 192 : index
        %get3A_614 = tpu.vector_load %arg12[%get3A_612, %get3A_613] {strides = array<i32>} : memref<40x256xf32, #tpu.memory_space<vmem>>, vector<1x16xf32>,
        %get3A_615 = vector.shape_cast %get3A_614 : vector<1x16xf32> to vector<16xf32>
        %mul3A_616 = arith.constant 0 : i32
        %mul3A_617 = vector.broadcast %mul3A_616 : i32 to vector<16xi32>
        %mul3A_618 = arith.muli %iota3A, %mul3A_617 : vector<16xi32>
        %add3A_619 = arith.constant 4 : i32
        %add3A_620 = vector.broadcast %add3A_619 : i32 to vector<16xi32>
        %add3A_621 = arith.addi %mul3A_618, %add3A_620 : vector<16xi32>
        %lt3A_622 = arith.constant 0 : i32
        %lt3A_623 = vector.broadcast %lt3A_622 : i32 to vector<16xi32>
        %lt3A_624 = arith.cmpi slt, %add3A_621, %lt3A_623 : vector<16xi32>
        %add3A_625 = arith.constant 16 : i32
        %add3A_626 = vector.broadcast %add3A_625 : i32 to vector<16xi32>
        %add3A_627 = arith.addi %add3A_621, %add3A_626 : vector<16xi32>
        %select_n3A_628 = arith.select %lt3A_624, %add3A_627, %add3A_621 : vector<16xi1>, vector<16xi32>
        %broadcast_in_dim3A_629 = vector.shape_cast %select_n3A_628 : vector<16xi32> to vector<16x1xi32>
        %gather3A_630 = vector.shape_cast %broadcast_in_dim3A_629 : vector<16x1xi32> to vector<16xi32>
        %gather3A_631 = tpu.dynamic_gather %exp3A[%gather3A_630] in [0] : vector<16xf32>, vector<16xi32> -> vector<16xf32>
        %mul3A_632 = arith.mulf %get3A_615, %gather3A_631 : vector<16xf32>
        %swap3A_633 = arith.index_cast %scan3A_86 : i32 to index
        %swap3A_634 = arith.constant 64 : index
        %swap3A_635 = tpu.vector_load %arg15[%swap3A_633, %swap3A_634] {strides = array<i32>} : memref<40x128xf32, #tpu.memory_space<vmem>>, vector<1x16xf32>,
        %swap3A_636 = vector.shape_cast %swap3A_635 : vector<1x16xf32> to vector<16xf32>
        %swap3A_637 = vector.shape_cast %mul3A_632 : vector<16xf32> to vector<1x16xf32>
        tpu.vector_store %arg15[%swap3A_633, %swap3A_634], %swap3A_637 {strides = array<i32>} : memref<40x128xf32, #tpu.memory_space<vmem>>, vector<1x16xf32>,
        %get3A_638 = arith.index_cast %scan3A_86 : i32 to index
        %get3A_639 = arith.constant 208 : index
        %get3A_640 = tpu.vector_load %arg12[%get3A_638, %get3A_639] {strides = array<i32>} : memref<40x256xf32, #tpu.memory_space<vmem>>, vector<1x16xf32>,
        %get3A_641 = vector.shape_cast %get3A_640 : vector<1x16xf32> to vector<16xf32>
        %mul3A_642 = arith.constant 0 : i32
        %mul3A_643 = vector.broadcast %mul3A_642 : i32 to vector<16xi32>
        %mul3A_644 = arith.muli %iota3A, %mul3A_643 : vector<16xi32>
        %add3A_645 = arith.constant 5 : i32
        %add3A_646 = vector.broadcast %add3A_645 : i32 to vector<16xi32>
        %add3A_647 = arith.addi %mul3A_644, %add3A_646 : vector<16xi32>
        %lt3A_648 = arith.constant 0 : i32
        %lt3A_649 = vector.broadcast %lt3A_648 : i32 to vector<16xi32>
        %lt3A_650 = arith.cmpi slt, %add3A_647, %lt3A_649 : vector<16xi32>
        %add3A_651 = arith.constant 16 : i32
        %add3A_652 = vector.broadcast %add3A_651 : i32 to vector<16xi32>
        %add3A_653 = arith.addi %add3A_647, %add3A_652 : vector<16xi32>
        %select_n3A_654 = arith.select %lt3A_650, %add3A_653, %add3A_647 : vector<16xi1>, vector<16xi32>
        %broadcast_in_dim3A_655 = vector.shape_cast %select_n3A_654 : vector<16xi32> to vector<16x1xi32>
        %gather3A_656 = vector.shape_cast %broadcast_in_dim3A_655 : vector<16x1xi32> to vector<16xi32>
        %gather3A_657 = tpu.dynamic_gather %exp3A[%gather3A_656] in [0] : vector<16xf32>, vector<16xi32> -> vector<16xf32>
        %mul3A_658 = arith.mulf %get3A_641, %gather3A_657 : vector<16xf32>
        %swap3A_659 = arith.index_cast %scan3A_86 : i32 to index
        %swap3A_660 = arith.constant 80 : index
        %swap3A_661 = tpu.vector_load %arg15[%swap3A_659, %swap3A_660] {strides = array<i32>} : memref<40x128xf32, #tpu.memory_space<vmem>>, vector<1x16xf32>,
        %swap3A_662 = vector.shape_cast %swap3A_661 : vector<1x16xf32> to vector<16xf32>
        %swap3A_663 = vector.shape_cast %mul3A_658 : vector<16xf32> to vector<1x16xf32>
        tpu.vector_store %arg15[%swap3A_659, %swap3A_660], %swap3A_663 {strides = array<i32>} : memref<40x128xf32, #tpu.memory_space<vmem>>, vector<1x16xf32>,
        %get3A_664 = arith.index_cast %scan3A_86 : i32 to index
        %get3A_665 = arith.constant 224 : index
        %get3A_666 = tpu.vector_load %arg12[%get3A_664, %get3A_665] {strides = array<i32>} : memref<40x256xf32, #tpu.memory_space<vmem>>, vector<1x16xf32>,
        %get3A_667 = vector.shape_cast %get3A_666 : vector<1x16xf32> to vector<16xf32>
        %mul3A_668 = arith.constant 0 : i32
        %mul3A_669 = vector.broadcast %mul3A_668 : i32 to vector<16xi32>
        %mul3A_670 = arith.muli %iota3A, %mul3A_669 : vector<16xi32>
        %add3A_671 = arith.constant 6 : i32
        %add3A_672 = vector.broadcast %add3A_671 : i32 to vector<16xi32>
        %add3A_673 = arith.addi %mul3A_670, %add3A_672 : vector<16xi32>
        %lt3A_674 = arith.constant 0 : i32
        %lt3A_675 = vector.broadcast %lt3A_674 : i32 to vector<16xi32>
        %lt3A_676 = arith.cmpi slt, %add3A_673, %lt3A_675 : vector<16xi32>
        %add3A_677 = arith.constant 16 : i32
        %add3A_678 = vector.broadcast %add3A_677 : i32 to vector<16xi32>
        %add3A_679 = arith.addi %add3A_673, %add3A_678 : vector<16xi32>
        %select_n3A_680 = arith.select %lt3A_676, %add3A_679, %add3A_673 : vector<16xi1>, vector<16xi32>
        %broadcast_in_dim3A_681 = vector.shape_cast %select_n3A_680 : vector<16xi32> to vector<16x1xi32>
        %gather3A_682 = vector.shape_cast %broadcast_in_dim3A_681 : vector<16x1xi32> to vector<16xi32>
        %gather3A_683 = tpu.dynamic_gather %exp3A[%gather3A_682] in [0] : vector<16xf32>, vector<16xi32> -> vector<16xf32>
        %mul3A_684 = arith.mulf %get3A_667, %gather3A_683 : vector<16xf32>
        %swap3A_685 = arith.index_cast %scan3A_86 : i32 to index
        %swap3A_686 = arith.constant 96 : index
        %swap3A_687 = tpu.vector_load %arg15[%swap3A_685, %swap3A_686] {strides = array<i32>} : memref<40x128xf32, #tpu.memory_space<vmem>>, vector<1x16xf32>,
        %swap3A_688 = vector.shape_cast %swap3A_687 : vector<1x16xf32> to vector<16xf32>
        %swap3A_689 = vector.shape_cast %mul3A_684 : vector<16xf32> to vector<1x16xf32>
        tpu.vector_store %arg15[%swap3A_685, %swap3A_686], %swap3A_689 {strides = array<i32>} : memref<40x128xf32, #tpu.memory_space<vmem>>, vector<1x16xf32>,
        %get3A_690 = arith.index_cast %scan3A_86 : i32 to index
        %get3A_691 = arith.constant 240 : index
        %get3A_692 = tpu.vector_load %arg12[%get3A_690, %get3A_691] {strides = array<i32>} : memref<40x256xf32, #tpu.memory_space<vmem>>, vector<1x16xf32>,
        %get3A_693 = vector.shape_cast %get3A_692 : vector<1x16xf32> to vector<16xf32>
        %mul3A_694 = arith.constant 0 : i32
        %mul3A_695 = vector.broadcast %mul3A_694 : i32 to vector<16xi32>
        %mul3A_696 = arith.muli %iota3A, %mul3A_695 : vector<16xi32>
        %add3A_697 = arith.constant 7 : i32
        %add3A_698 = vector.broadcast %add3A_697 : i32 to vector<16xi32>
        %add3A_699 = arith.addi %mul3A_696, %add3A_698 : vector<16xi32>
        %lt3A_700 = arith.constant 0 : i32
        %lt3A_701 = vector.broadcast %lt3A_700 : i32 to vector<16xi32>
        %lt3A_702 = arith.cmpi slt, %add3A_699, %lt3A_701 : vector<16xi32>
        %add3A_703 = arith.constant 16 : i32
        %add3A_704 = vector.broadcast %add3A_703 : i32 to vector<16xi32>
        %add3A_705 = arith.addi %add3A_699, %add3A_704 : vector<16xi32>
        %select_n3A_706 = arith.select %lt3A_702, %add3A_705, %add3A_699 : vector<16xi1>, vector<16xi32>
        %broadcast_in_dim3A_707 = vector.shape_cast %select_n3A_706 : vector<16xi32> to vector<16x1xi32>
        %gather3A_708 = vector.shape_cast %broadcast_in_dim3A_707 : vector<16x1xi32> to vector<16xi32>
        %gather3A_709 = tpu.dynamic_gather %exp3A[%gather3A_708] in [0] : vector<16xf32>, vector<16xi32> -> vector<16xf32>
        %mul3A_710 = arith.mulf %get3A_693, %gather3A_709 : vector<16xf32>
        %swap3A_711 = arith.index_cast %scan3A_86 : i32 to index
        %swap3A_712 = arith.constant 112 : index
        %swap3A_713 = tpu.vector_load %arg15[%swap3A_711, %swap3A_712] {strides = array<i32>} : memref<40x128xf32, #tpu.memory_space<vmem>>, vector<1x16xf32>,
        %swap3A_714 = vector.shape_cast %swap3A_713 : vector<1x16xf32> to vector<16xf32>
        %swap3A_715 = vector.shape_cast %mul3A_710 : vector<16xf32> to vector<1x16xf32>
        tpu.vector_store %arg15[%swap3A_711, %swap3A_712], %swap3A_715 {strides = array<i32>} : memref<40x128xf32, #tpu.memory_space<vmem>>, vector<1x16xf32>,
        %swap3A_716 = arith.index_cast %scan3A_86 : i32 to index
        %swap3A_717 = arith.constant 0 : index
        %swap3A_718 = tpu.vector_load %arg16[%swap3A_716, %swap3A_717] {strides = array<i32>} : memref<40x16xf32, #tpu.memory_space<vmem>>, vector<1x16xf32>,
        %swap3A_719 = vector.shape_cast %swap3A_718 : vector<1x16xf32> to vector<16xf32>
        %swap3A_720 = vector.shape_cast %exp3A : vector<16xf32> to vector<1x16xf32>
        tpu.vector_store %arg16[%swap3A_716, %swap3A_717], %swap3A_720 {strides = array<i32>} : memref<40x16xf32, #tpu.memory_space<vmem>>, vector<1x16xf32>,
      }
      %scan3A_85 = arith.constant 40 : i32
      "tpu.region"() ({
        %run_scoped3A = tpu.sem_alloc : memref<!tpu.dma_semaphore, #tpu.memory_space<semaphore_mem>>
        %dma_start3A_86 = arith.constant 0 : i32
        %dma_start3A_87 = arith.constant 0 : i32
        %dma_start3A_88 = tpu.memref_slice %arg17[%dma_start3A_86, %dma_start3A_87] : memref<10240x128xf32, #tpu.memory_space<vmem_shared>> -> memref<10240x128xf32, #tpu.memory_space<vmem_shared>>
        tpu.enqueue_indirect_dma source(%arg15 : memref<40x128xf32, #tpu.memory_space<vmem>>) target(%dma_start3A_88 : memref<10240x128xf32, #tpu.memory_space<vmem_shared>>) offsets(%arg11 : memref<40xi32, #tpu.memory_space<vmem>>) semaphore(%run_scoped3A : memref<!tpu.dma_semaphore, #tpu.memory_space<semaphore_mem>>) {add = true}
        %dma_wait3A_89 = arith.constant 0 : i32
        %dma_wait3A_90 = arith.constant 0 : i32
        %dma_wait3A_91 = tpu.memref_slice %arg17[%dma_wait3A_89, %dma_wait3A_90] : memref<10240x128xf32, #tpu.memory_space<vmem_shared>> -> memref<10240x128xf32, #tpu.memory_space<vmem_shared>>
        tpu.wait_indirect_dma semaphore(%run_scoped3A : memref<!tpu.dma_semaphore, #tpu.memory_space<semaphore_mem>>) src(%arg15 : memref<40x128xf32, #tpu.memory_space<vmem>>) dst(%dma_wait3A_91 : memref<10240x128xf32, #tpu.memory_space<vmem_shared>>)
        tpu.yield
      }) : () -> ()
      "tpu.region"() ({
        %run_scoped3A = tpu.sem_alloc : memref<!tpu.dma_semaphore, #tpu.memory_space<semaphore_mem>>
        %dma_start3A_86 = arith.constant 0 : i32
        %dma_start3A_87 = tpu.memref_slice %arg9[%multiple_of3A_69, %dma_start3A_86] : memref<320000x16xf32, #tpu.memory_space<hbm>> -> memref<40x16xf32, #tpu.memory_space<hbm>>
        %dma_start3A_88 = arith.constant 0 : i32
        %dma_start3A_89 = tpu.memref_slice %arg9[%multiple_of3A_69, %dma_start3A_88] : memref<320000x16xf32, #tpu.memory_space<hbm>> -> memref<40x16xf32, #tpu.memory_space<hbm>>
        tpu.enqueue_dma source(%arg16 : memref<40x16xf32, #tpu.memory_space<vmem>>) target(%dma_start3A_89 : memref<40x16xf32, #tpu.memory_space<hbm>>) target_semaphore(%run_scoped3A : memref<!tpu.dma_semaphore, #tpu.memory_space<semaphore_mem>>)
        %dma_wait3A_90 = arith.constant 0 : i32
        %dma_wait3A_91 = tpu.memref_slice %arg9[%multiple_of3A_69, %dma_wait3A_90] : memref<320000x16xf32, #tpu.memory_space<hbm>> -> memref<40x16xf32, #tpu.memory_space<hbm>>
        %dma_wait3A_92 = arith.constant 0 : i32
        %dma_wait3A_93 = tpu.memref_slice %arg9[%multiple_of3A_69, %dma_wait3A_92] : memref<320000x16xf32, #tpu.memory_space<hbm>> -> memref<40x16xf32, #tpu.memory_space<hbm>>
        tpu.wait_dma2 semaphore(%run_scoped3A : memref<!tpu.dma_semaphore, #tpu.memory_space<semaphore_mem>>) src(%arg16 : memref<40x16xf32, #tpu.memory_space<vmem>>) dst(%dma_wait3A_93 : memref<40x16xf32, #tpu.memory_space<hbm>>)
        tpu.yield
      }) : () -> ()
    }
    %scan3A_61 = arith.constant 250 : i32
    %barrier3A_62 = arith.constant 0 : index
    tpu.barrier barrier_id(%barrier3A_62)
    "tpu.region"() ({
      %run_scoped3A = tpu.sem_alloc : memref<!tpu.dma_semaphore, #tpu.memory_space<semaphore_mem>>
      %dma_start3A = arith.constant 0 : i32
      %dma_start3A_63 = tpu.memref_slice %arg8[%arg0, %multiple_of3A, %dma_start3A] : memref<2x10240x128xf32, #tpu.memory_space<hbm>> -> memref<1x640x128xf32, #tpu.memory_space<hbm>>
      %dma_start3A_64 = tpu.memref_squeeze %dma_start3A_63 : memref<1x640x128xf32, #tpu.memory_space<hbm>> -> memref<640x128xf32, #tpu.memory_space<hbm>>
      %dma_start3A_65 = arith.constant 0 : i32
      %dma_start3A_66 = tpu.memref_slice %arg17[%multiple_of3A, %dma_start3A_65] : memref<10240x128xf32, #tpu.memory_space<vmem_shared>> -> memref<640x128xf32, #tpu.memory_space<vmem_shared>>
      tpu.enqueue_dma source(%dma_start3A_66 : memref<640x128xf32, #tpu.memory_space<vmem_shared>>) target(%dma_start3A_64 : memref<640x128xf32, #tpu.memory_space<hbm>>) target_semaphore(%run_scoped3A : memref<!tpu.dma_semaphore, #tpu.memory_space<semaphore_mem>>)
      %dma_wait3A = arith.constant 0 : i32
      %dma_wait3A_67 = tpu.memref_slice %arg8[%arg0, %multiple_of3A, %dma_wait3A] : memref<2x10240x128xf32, #tpu.memory_space<hbm>> -> memref<1x640x128xf32, #tpu.memory_space<hbm>>
      %dma_wait3A_68 = tpu.memref_squeeze %dma_wait3A_67 : memref<1x640x128xf32, #tpu.memory_space<hbm>> -> memref<640x128xf32, #tpu.memory_space<hbm>>
      %dma_wait3A_69 = arith.constant 0 : i32
      %dma_wait3A_70 = tpu.memref_slice %arg17[%multiple_of3A, %dma_wait3A_69] : memref<10240x128xf32, #tpu.memory_space<vmem_shared>> -> memref<640x128xf32, #tpu.memory_space<vmem_shared>>
      tpu.wait_dma2 semaphore(%run_scoped3A : memref<!tpu.dma_semaphore, #tpu.memory_space<semaphore_mem>>) src(%dma_wait3A_70 : memref<640x128xf32, #tpu.memory_space<vmem_shared>>) dst(%dma_wait3A_68 : memref<640x128xf32, #tpu.memory_space<hbm>>)
      tpu.yield
    }) : () -> ()
    return
  }
}

module attributes {stable_mosaic.version = 14 : i64} {
  func.func @_ep_body(%arg0: i32, %arg1: memref<1000x128xf32, #tpu.memory_space<vmem>>, %arg2: memref<128x1024xf32, #tpu.memory_space<vmem>>, %arg3: memref<1000x1024xf32, #tpu.memory_space<vmem>>) attributes {dimension_semantics = [#tpu.dimension_semantics<arbitrary>], iteration_bounds = array<i64: 40>, scalar_prefetch = 0 : i64, scratch_operands = 0 : i64, tpu.core_type = #tpu.core_type<tc>, window_params = [{transform_indices = @transform_0, window_bounds = array<i64: 1000, 128>}, {pipeline_mode = #tpu.pipeline_mode<synchronous>, transform_indices = @transform_1, window_bounds = array<i64: 128, 1024>}, {transform_indices = @transform_2, window_bounds = array<i64: 1000, 1024>}]} {
    %get3A = arith.constant 0 : index
    %get3A_0 = arith.constant 0 : index
    %get3A_1 = vector.load %arg1[%get3A, %get3A_0] : memref<1000x128xf32, #tpu.memory_space<vmem>>, vector<1000x128xf32>
    %get3A_2 = arith.constant 0 : index
    %get3A_3 = arith.constant 0 : index
    %get3A_4 = vector.load %arg2[%get3A_2, %get3A_3] : memref<128x1024xf32, #tpu.memory_space<vmem>>, vector<128x1024xf32>
    %dot_general3A = arith.constant dense<0.000000e+00> : vector<1000x1024xf32>
    %dot_general3A_5 = tpu.matmul %get3A_1, %get3A_4, %dot_general3A {dimension_numbers = #tpu.dot_dimension_numbers<[1], [0], [0], [1], [0, 0, 1, 1], [], []>, transpose_lhs_hint = false} : vector<1000x128xf32>, vector<128x1024xf32>, vector<1000x1024xf32> -> vector<1000x1024xf32>
    %swap3A = arith.constant 0 : index
    %swap3A_6 = arith.constant 0 : index
    %swap3A_7 = vector.load %arg3[%swap3A, %swap3A_6] : memref<1000x1024xf32, #tpu.memory_space<vmem>>, vector<1000x1024xf32>
    tpu.vector_store %arg3[%swap3A, %swap3A_6], %dot_general3A_5 {strides = array<i32>} : memref<1000x1024xf32, #tpu.memory_space<vmem>>, vector<1000x1024xf32>,
    return
  }
  func.func @transform_0(%arg0: i32) -> (i32, i32) {
    %c0_i32 = arith.constant 0 : i32
    %c0_i32_0 = arith.constant 0 : i32
    return %arg0, %c0_i32 : i32, i32
  }
  func.func @transform_1(%arg0: i32) -> (i32, i32) {
    %c0_i32 = arith.constant 0 : i32
    %c0_i32_0 = arith.constant 0 : i32
    %c0_i32_1 = arith.constant 0 : i32
    return %c0_i32, %c0_i32_0 : i32, i32
  }
  func.func @transform_2(%arg0: i32) -> (i32, i32) {
    %c0_i32 = arith.constant 0 : i32
    %c0_i32_0 = arith.constant 0 : i32
    return %arg0, %c0_i32 : i32, i32
  }
}

module attributes {stable_mosaic.version = 14 : i64} {
  func.func @_qkv_body(%arg0: i32, %arg1: memref<1000x128xf32, #tpu.memory_space<vmem>>, %arg2: memref<128x128xf32, #tpu.memory_space<vmem>>, %arg3: memref<128x128xf32, #tpu.memory_space<vmem>>, %arg4: memref<128x128xf32, #tpu.memory_space<vmem>>, %arg5: memref<1000x128xf32, #tpu.memory_space<vmem>>, %arg6: memref<1000x256xf32, #tpu.memory_space<vmem>>) attributes {dimension_semantics = [#tpu.dimension_semantics<arbitrary>], iteration_bounds = array<i64: 10>, scalar_prefetch = 0 : i64, scratch_operands = 0 : i64, tpu.core_type = #tpu.core_type<tc>, window_params = [{transform_indices = @transform_0, window_bounds = array<i64: 1000, 128>}, {pipeline_mode = #tpu.pipeline_mode<synchronous>, transform_indices = @transform_1, window_bounds = array<i64: 128, 128>}, {pipeline_mode = #tpu.pipeline_mode<synchronous>, transform_indices = @transform_2, window_bounds = array<i64: 128, 128>}, {pipeline_mode = #tpu.pipeline_mode<synchronous>, transform_indices = @transform_3, window_bounds = array<i64: 128, 128>}, {transform_indices = @transform_4, window_bounds = array<i64: 1000, 128>}, {transform_indices = @transform_5, window_bounds = array<i64: 1000, 256>}]} {
    %get3A = arith.constant 0 : index
    %get3A_0 = arith.constant 0 : index
    %get3A_1 = vector.load %arg1[%get3A, %get3A_0] : memref<1000x128xf32, #tpu.memory_space<vmem>>, vector<1000x128xf32>
    %get3A_2 = arith.constant 0 : index
    %get3A_3 = arith.constant 0 : index
    %get3A_4 = vector.load %arg2[%get3A_2, %get3A_3] : memref<128x128xf32, #tpu.memory_space<vmem>>, vector<128x128xf32>
    %dot_general3A = arith.constant dense<0.000000e+00> : vector<1000x128xf32>
    %dot_general3A_5 = tpu.matmul %get3A_1, %get3A_4, %dot_general3A {dimension_numbers = #tpu.dot_dimension_numbers<[1], [0], [0], [1], [0, 0, 1, 1], [], []>, transpose_lhs_hint = false} : vector<1000x128xf32>, vector<128x128xf32>, vector<1000x128xf32> -> vector<1000x128xf32>
    %swap3A = arith.constant 0 : index
    %swap3A_6 = arith.constant 0 : index
    %swap3A_7 = vector.load %arg5[%swap3A, %swap3A_6] : memref<1000x128xf32, #tpu.memory_space<vmem>>, vector<1000x128xf32>
    tpu.vector_store %arg5[%swap3A, %swap3A_6], %dot_general3A_5 {strides = array<i32>} : memref<1000x128xf32, #tpu.memory_space<vmem>>, vector<1000x128xf32>,
    %get3A_8 = arith.constant 0 : index
    %get3A_9 = arith.constant 0 : index
    %get3A_10 = vector.load %arg3[%get3A_8, %get3A_9] : memref<128x128xf32, #tpu.memory_space<vmem>>, vector<128x128xf32>
    %dot_general3A_11 = arith.constant dense<0.000000e+00> : vector<1000x128xf32>
    %dot_general3A_12 = tpu.matmul %get3A_1, %get3A_10, %dot_general3A_11 {dimension_numbers = #tpu.dot_dimension_numbers<[1], [0], [0], [1], [0, 0, 1, 1], [], []>, transpose_lhs_hint = false} : vector<1000x128xf32>, vector<128x128xf32>, vector<1000x128xf32> -> vector<1000x128xf32>
    %get3A_13 = arith.constant 0 : index
    %get3A_14 = arith.constant 0 : index
    %get3A_15 = vector.load %arg4[%get3A_13, %get3A_14] : memref<128x128xf32, #tpu.memory_space<vmem>>, vector<128x128xf32>
    %dot_general3A_16 = arith.constant dense<0.000000e+00> : vector<1000x128xf32>
    %dot_general3A_17 = tpu.matmul %get3A_1, %get3A_15, %dot_general3A_16 {dimension_numbers = #tpu.dot_dimension_numbers<[1], [0], [0], [1], [0, 0, 1, 1], [], []>, transpose_lhs_hint = false} : vector<1000x128xf32>, vector<128x128xf32>, vector<1000x128xf32> -> vector<1000x128xf32>
    %concatenate3A = tpu.concatenate %dot_general3A_12, %dot_general3A_17 in 1 : vector<1000x128xf32>, vector<1000x128xf32> -> vector<1000x256xf32>
    %swap3A_18 = arith.constant 0 : index
    %swap3A_19 = arith.constant 0 : index
    %swap3A_20 = vector.load %arg6[%swap3A_18, %swap3A_19] : memref<1000x256xf32, #tpu.memory_space<vmem>>, vector<1000x256xf32>
    tpu.vector_store %arg6[%swap3A_18, %swap3A_19], %concatenate3A {strides = array<i32>} : memref<1000x256xf32, #tpu.memory_space<vmem>>, vector<1000x256xf32>,
    return
  }
  func.func @transform_0(%arg0: i32) -> (i32, i32) {
    %c0_i32 = arith.constant 0 : i32
    %c0_i32_0 = arith.constant 0 : i32
    return %arg0, %c0_i32 : i32, i32
  }
  func.func @transform_1(%arg0: i32) -> (i32, i32) {
    %c0_i32 = arith.constant 0 : i32
    %c0_i32_0 = arith.constant 0 : i32
    %c0_i32_1 = arith.constant 0 : i32
    return %c0_i32, %c0_i32_0 : i32, i32
  }
  func.func @transform_2(%arg0: i32) -> (i32, i32) {
    %c0_i32 = arith.constant 0 : i32
    %c0_i32_0 = arith.constant 0 : i32
    %c0_i32_1 = arith.constant 0 : i32
    return %c0_i32, %c0_i32_0 : i32, i32
  }
  func.func @transform_3(%arg0: i32) -> (i32, i32) {
    %c0_i32 = arith.constant 0 : i32
    %c0_i32_0 = arith.constant 0 : i32
    %c0_i32_1 = arith.constant 0 : i32
    return %c0_i32, %c0_i32_0 : i32, i32
  }
  func.func @transform_4(%arg0: i32) -> (i32, i32) {
    %c0_i32 = arith.constant 0 : i32
    %c0_i32_0 = arith.constant 0 : i32
    return %arg0, %c0_i32 : i32, i32
  }
  func.func @transform_5(%arg0: i32) -> (i32, i32) {
    %c0_i32 = arith.constant 0 : i32
    %c0_i32_0 = arith.constant 0 : i32
    return %arg0, %c0_i32 : i32, i32
  }
}

module attributes {stable_mosaic.version = 14 : i64} {
  func.func @_post_body(%arg0: i32, %arg1: memref<2x1000x128xf32, #tpu.memory_space<vmem>>, %arg2: memref<2x1000x128xf32, #tpu.memory_space<vmem>>, %arg3: memref<1000x128xf32, #tpu.memory_space<vmem>>, %arg4: memref<128x128xf32, #tpu.memory_space<vmem>>, %arg5: memref<128x128xf32, #tpu.memory_space<vmem>>, %arg6: memref<128xf32, #tpu.memory_space<vmem>>, %arg7: memref<128xf32, #tpu.memory_space<vmem>>, %arg8: memref<128xf32, #tpu.memory_space<vmem>>, %arg9: memref<128x256xf32, #tpu.memory_space<vmem>>, %arg10: memref<256xf32, #tpu.memory_space<vmem>>, %arg11: memref<256x128xf32, #tpu.memory_space<vmem>>, %arg12: memref<128xf32, #tpu.memory_space<vmem>>, %arg13: memref<128xf32, #tpu.memory_space<vmem>>, %arg14: memref<128xf32, #tpu.memory_space<vmem>>, %arg15: memref<1000x128xf32, #tpu.memory_space<vmem>>) attributes {dimension_semantics = [#tpu.dimension_semantics<arbitrary>], iteration_bounds = array<i64: 10>, scalar_prefetch = 0 : i64, scratch_operands = 0 : i64, tpu.core_type = #tpu.core_type<tc>, window_params = [{transform_indices = @transform_0, window_bounds = array<i64: 2, 1000, 128>}, {transform_indices = @transform_1, window_bounds = array<i64: 2, 1000, 128>}, {transform_indices = @transform_2, window_bounds = array<i64: 1000, 128>}, {pipeline_mode = #tpu.pipeline_mode<synchronous>, transform_indices = @transform_3, window_bounds = array<i64: 128, 128>}, {pipeline_mode = #tpu.pipeline_mode<synchronous>, transform_indices = @transform_4, window_bounds = array<i64: 128, 128>}, {pipeline_mode = #tpu.pipeline_mode<synchronous>, transform_indices = @transform_5, window_bounds = array<i64: 128>}, {pipeline_mode = #tpu.pipeline_mode<synchronous>, transform_indices = @transform_6, window_bounds = array<i64: 128>}, {pipeline_mode = #tpu.pipeline_mode<synchronous>, transform_indices = @transform_7, window_bounds = array<i64: 128>}, {pipeline_mode = #tpu.pipeline_mode<synchronous>, transform_indices = @transform_8, window_bounds = array<i64: 128, 256>}, {pipeline_mode = #tpu.pipeline_mode<synchronous>, transform_indices = @transform_9, window_bounds = array<i64: 256>}, {pipeline_mode = #tpu.pipeline_mode<synchronous>, transform_indices = @transform_10, window_bounds = array<i64: 256, 128>}, {pipeline_mode = #tpu.pipeline_mode<synchronous>, transform_indices = @transform_11, window_bounds = array<i64: 128>}, {pipeline_mode = #tpu.pipeline_mode<synchronous>, transform_indices = @transform_12, window_bounds = array<i64: 128>}, {pipeline_mode = #tpu.pipeline_mode<synchronous>, transform_indices = @transform_13, window_bounds = array<i64: 128>}, {transform_indices = @transform_14, window_bounds = array<i64: 1000, 128>}]} {
    %get3A = arith.constant 0 : index
    %get3A_0 = arith.constant 0 : index
    %get3A_1 = arith.constant 0 : index
    %get3A_2 = vector.load %arg1[%get3A, %get3A_0, %get3A_1] : memref<2x1000x128xf32, #tpu.memory_space<vmem>>, vector<1x1000x128xf32>
    %get3A_3 = vector.shape_cast %get3A_2 : vector<1x1000x128xf32> to vector<1000x128xf32>
    %get3A_4 = arith.constant 1 : index
    %get3A_5 = arith.constant 0 : index
    %get3A_6 = arith.constant 0 : index
    %get3A_7 = vector.load %arg1[%get3A_4, %get3A_5, %get3A_6] : memref<2x1000x128xf32, #tpu.memory_space<vmem>>, vector<1x1000x128xf32>
    %get3A_8 = vector.shape_cast %get3A_7 : vector<1x1000x128xf32> to vector<1000x128xf32>
    %add3A = arith.addf %get3A_3, %get3A_8 : vector<1000x128xf32>
    %get3A_9 = arith.constant 0 : index
    %get3A_10 = arith.constant 0 : index
    %get3A_11 = arith.constant 0 : index
    %get3A_12 = vector.load %arg2[%get3A_9, %get3A_10, %get3A_11] : memref<2x1000x128xf32, #tpu.memory_space<vmem>>, vector<1x1000x128xf32>
    %get3A_13 = vector.shape_cast %get3A_12 : vector<1x1000x128xf32> to vector<1000x128xf32>
    %get3A_14 = arith.constant 1 : index
    %get3A_15 = arith.constant 0 : index
    %get3A_16 = arith.constant 0 : index
    %get3A_17 = vector.load %arg2[%get3A_14, %get3A_15, %get3A_16] : memref<2x1000x128xf32, #tpu.memory_space<vmem>>, vector<1x1000x128xf32>
    %get3A_18 = vector.shape_cast %get3A_17 : vector<1x1000x128xf32> to vector<1000x128xf32>
    %add3A_19 = arith.addf %get3A_13, %get3A_18 : vector<1000x128xf32>
    %get3A_20 = arith.constant 0 : index
    %get3A_21 = arith.constant 0 : index
    %get3A_22 = vector.load %arg4[%get3A_20, %get3A_21] : memref<128x128xf32, #tpu.memory_space<vmem>>, vector<128x128xf32>
    %dot_general3A = arith.constant dense<0.000000e+00> : vector<1000x128xf32>
    %dot_general3A_23 = tpu.matmul %add3A_19, %get3A_22, %dot_general3A {dimension_numbers = #tpu.dot_dimension_numbers<[1], [0], [0], [1], [0, 0, 1, 1], [], []>, transpose_lhs_hint = false} : vector<1000x128xf32>, vector<128x128xf32>, vector<1000x128xf32> -> vector<1000x128xf32>
    %add3A_24 = arith.constant 9.99999997E-7 : f32
    %add3A_25 = vector.broadcast %add3A_24 : f32 to vector<1000x128xf32>
    %add3A_26 = arith.addf %dot_general3A_23, %add3A_25 : vector<1000x128xf32>
    %div3A = arith.divf %add3A, %add3A_26 : vector<1000x128xf32>
    %get3A_27 = arith.constant 0 : index
    %get3A_28 = arith.constant 0 : index
    %get3A_29 = vector.load %arg5[%get3A_27, %get3A_28] : memref<128x128xf32, #tpu.memory_space<vmem>>, vector<128x128xf32>
    %dot_general3A_30 = arith.constant dense<0.000000e+00> : vector<1000x128xf32>
    %dot_general3A_31 = tpu.matmul %div3A, %get3A_29, %dot_general3A_30 {dimension_numbers = #tpu.dot_dimension_numbers<[1], [0], [0], [1], [0, 0, 1, 1], [], []>, transpose_lhs_hint = false} : vector<1000x128xf32>, vector<128x128xf32>, vector<1000x128xf32> -> vector<1000x128xf32>
    %get3A_32 = arith.constant 0 : index
    %get3A_33 = vector.load %arg6[%get3A_32] : memref<128xf32, #tpu.memory_space<vmem>>, vector<128xf32>
    %broadcast_in_dim3A = vector.shape_cast %get3A_33 : vector<128xf32> to vector<1x128xf32>
    %add3A_34 = vector.broadcast %broadcast_in_dim3A : vector<1x128xf32> to vector<1000x128xf32>
    %add3A_35 = arith.addf %dot_general3A_31, %add3A_34 : vector<1000x128xf32>
    %get3A_36 = arith.constant 0 : index
    %get3A_37 = arith.constant 0 : index
    %get3A_38 = vector.load %arg3[%get3A_36, %get3A_37] : memref<1000x128xf32, #tpu.memory_space<vmem>>, vector<1000x128xf32>
    %add3A_39 = arith.addf %add3A_35, %get3A_38 : vector<1000x128xf32>
    %reduce_sum3A = arith.constant dense<0.000000e+00> : vector<1000xf32>
    %reduce_sum3A_40 = vector.multi_reduction <add>, %add3A_39, %reduce_sum3A [1] : vector<1000x128xf32> to vector<1000xf32>
    %broadcast_in_dim3A_41 = vector.shape_cast %reduce_sum3A_40 : vector<1000xf32> to vector<1000x1xf32>
    %div3A_42 = arith.constant 1.280000e+02 : f32
    %div3A_43 = vector.broadcast %div3A_42 : f32 to vector<1000x1xf32>
    %div3A_44 = arith.divf %broadcast_in_dim3A_41, %div3A_43 : vector<1000x1xf32>
    %sub3A = vector.broadcast %div3A_44 : vector<1000x1xf32> to vector<1000x128xf32>
    %sub3A_45 = arith.subf %add3A_39, %sub3A : vector<1000x128xf32>
    %integer_pow3A = arith.mulf %sub3A_45, %sub3A_45 : vector<1000x128xf32>
    %reduce_sum3A_46 = arith.constant dense<0.000000e+00> : vector<1000xf32>
    %reduce_sum3A_47 = vector.multi_reduction <add>, %integer_pow3A, %reduce_sum3A_46 [1] : vector<1000x128xf32> to vector<1000xf32>
    %broadcast_in_dim3A_48 = vector.shape_cast %reduce_sum3A_47 : vector<1000xf32> to vector<1000x1xf32>
    %div3A_49 = arith.constant 1.280000e+02 : f32
    %div3A_50 = vector.broadcast %div3A_49 : f32 to vector<1000x1xf32>
    %div3A_51 = arith.divf %broadcast_in_dim3A_48, %div3A_50 : vector<1000x1xf32>
    %sub3A_52 = vector.broadcast %div3A_44 : vector<1000x1xf32> to vector<1000x128xf32>
    %sub3A_53 = arith.subf %add3A_39, %sub3A_52 : vector<1000x128xf32>
    %add3A_54 = arith.constant 9.99999974E-6 : f32
    %add3A_55 = vector.broadcast %add3A_54 : f32 to vector<1000x1xf32>
    %add3A_56 = arith.addf %div3A_51, %add3A_55 : vector<1000x1xf32>
    %rsqrt3A = math.rsqrt %add3A_56 : vector<1000x1xf32>
    %mul3A = vector.broadcast %rsqrt3A : vector<1000x1xf32> to vector<1000x128xf32>
    %mul3A_57 = arith.mulf %sub3A_53, %mul3A : vector<1000x128xf32>
    %get3A_58 = arith.constant 0 : index
    %get3A_59 = vector.load %arg7[%get3A_58] : memref<128xf32, #tpu.memory_space<vmem>>, vector<128xf32>
    %broadcast_in_dim3A_60 = vector.shape_cast %get3A_59 : vector<128xf32> to vector<1x128xf32>
    %mul3A_61 = vector.broadcast %broadcast_in_dim3A_60 : vector<1x128xf32> to vector<1000x128xf32>
    %mul3A_62 = arith.mulf %mul3A_57, %mul3A_61 : vector<1000x128xf32>
    %get3A_63 = arith.constant 0 : index
    %get3A_64 = vector.load %arg8[%get3A_63] : memref<128xf32, #tpu.memory_space<vmem>>, vector<128xf32>
    %broadcast_in_dim3A_65 = vector.shape_cast %get3A_64 : vector<128xf32> to vector<1x128xf32>
    %add3A_66 = vector.broadcast %broadcast_in_dim3A_65 : vector<1x128xf32> to vector<1000x128xf32>
    %add3A_67 = arith.addf %mul3A_62, %add3A_66 : vector<1000x128xf32>
    %get3A_68 = arith.constant 0 : index
    %get3A_69 = arith.constant 0 : index
    %get3A_70 = vector.load %arg9[%get3A_68, %get3A_69] : memref<128x256xf32, #tpu.memory_space<vmem>>, vector<128x256xf32>
    %dot_general3A_71 = arith.constant dense<0.000000e+00> : vector<1000x256xf32>
    %dot_general3A_72 = tpu.matmul %add3A_67, %get3A_70, %dot_general3A_71 {dimension_numbers = #tpu.dot_dimension_numbers<[1], [0], [0], [1], [0, 0, 1, 1], [], []>, transpose_lhs_hint = false} : vector<1000x128xf32>, vector<128x256xf32>, vector<1000x256xf32> -> vector<1000x256xf32>
    %get3A_73 = arith.constant 0 : index
    %get3A_74 = vector.load %arg10[%get3A_73] : memref<256xf32, #tpu.memory_space<vmem>>, vector<256xf32>
    %broadcast_in_dim3A_75 = vector.shape_cast %get3A_74 : vector<256xf32> to vector<1x256xf32>
    %add3A_76 = vector.broadcast %broadcast_in_dim3A_75 : vector<1x256xf32> to vector<1000x256xf32>
    %add3A_77 = arith.addf %dot_general3A_72, %add3A_76 : vector<1000x256xf32>
    %max3A = arith.constant 0.000000e+00 : f32
    %max3A_78 = vector.broadcast %max3A : f32 to vector<1000x256xf32>
    %max3A_79 = arith.maximumf %add3A_77, %max3A_78 : vector<1000x256xf32>
    %get3A_80 = arith.constant 0 : index
    %get3A_81 = arith.constant 0 : index
    %get3A_82 = vector.load %arg11[%get3A_80, %get3A_81] : memref<256x128xf32, #tpu.memory_space<vmem>>, vector<256x128xf32>
    %dot_general3A_83 = arith.constant dense<0.000000e+00> : vector<1000x128xf32>
    %dot_general3A_84 = tpu.matmul %max3A_79, %get3A_82, %dot_general3A_83 {dimension_numbers = #tpu.dot_dimension_numbers<[1], [0], [0], [1], [0, 0, 1, 1], [], []>, transpose_lhs_hint = false} : vector<1000x256xf32>, vector<256x128xf32>, vector<1000x128xf32> -> vector<1000x128xf32>
    %get3A_85 = arith.constant 0 : index
    %get3A_86 = vector.load %arg12[%get3A_85] : memref<128xf32, #tpu.memory_space<vmem>>, vector<128xf32>
    %broadcast_in_dim3A_87 = vector.shape_cast %get3A_86 : vector<128xf32> to vector<1x128xf32>
    %add3A_88 = vector.broadcast %broadcast_in_dim3A_87 : vector<1x128xf32> to vector<1000x128xf32>
    %add3A_89 = arith.addf %dot_general3A_84, %add3A_88 : vector<1000x128xf32>
    %add3A_90 = arith.addf %add3A_67, %add3A_89 : vector<1000x128xf32>
    %reduce_sum3A_91 = arith.constant dense<0.000000e+00> : vector<1000xf32>
    %reduce_sum3A_92 = vector.multi_reduction <add>, %add3A_90, %reduce_sum3A_91 [1] : vector<1000x128xf32> to vector<1000xf32>
    %broadcast_in_dim3A_93 = vector.shape_cast %reduce_sum3A_92 : vector<1000xf32> to vector<1000x1xf32>
    %div3A_94 = arith.constant 1.280000e+02 : f32
    %div3A_95 = vector.broadcast %div3A_94 : f32 to vector<1000x1xf32>
    %div3A_96 = arith.divf %broadcast_in_dim3A_93, %div3A_95 : vector<1000x1xf32>
    %sub3A_97 = vector.broadcast %div3A_96 : vector<1000x1xf32> to vector<1000x128xf32>
    %sub3A_98 = arith.subf %add3A_90, %sub3A_97 : vector<1000x128xf32>
    %integer_pow3A_99 = arith.mulf %sub3A_98, %sub3A_98 : vector<1000x128xf32>
    %reduce_sum3A_100 = arith.constant dense<0.000000e+00> : vector<1000xf32>
    %reduce_sum3A_101 = vector.multi_reduction <add>, %integer_pow3A_99, %reduce_sum3A_100 [1] : vector<1000x128xf32> to vector<1000xf32>
    %broadcast_in_dim3A_102 = vector.shape_cast %reduce_sum3A_101 : vector<1000xf32> to vector<1000x1xf32>
    %div3A_103 = arith.constant 1.280000e+02 : f32
    %div3A_104 = vector.broadcast %div3A_103 : f32 to vector<1000x1xf32>
    %div3A_105 = arith.divf %broadcast_in_dim3A_102, %div3A_104 : vector<1000x1xf32>
    %sub3A_106 = vector.broadcast %div3A_96 : vector<1000x1xf32> to vector<1000x128xf32>
    %sub3A_107 = arith.subf %add3A_90, %sub3A_106 : vector<1000x128xf32>
    %add3A_108 = arith.constant 9.99999974E-6 : f32
    %add3A_109 = vector.broadcast %add3A_108 : f32 to vector<1000x1xf32>
    %add3A_110 = arith.addf %div3A_105, %add3A_109 : vector<1000x1xf32>
    %rsqrt3A_111 = math.rsqrt %add3A_110 : vector<1000x1xf32>
    %mul3A_112 = vector.broadcast %rsqrt3A_111 : vector<1000x1xf32> to vector<1000x128xf32>
    %mul3A_113 = arith.mulf %sub3A_107, %mul3A_112 : vector<1000x128xf32>
    %get3A_114 = arith.constant 0 : index
    %get3A_115 = vector.load %arg13[%get3A_114] : memref<128xf32, #tpu.memory_space<vmem>>, vector<128xf32>
    %broadcast_in_dim3A_116 = vector.shape_cast %get3A_115 : vector<128xf32> to vector<1x128xf32>
    %mul3A_117 = vector.broadcast %broadcast_in_dim3A_116 : vector<1x128xf32> to vector<1000x128xf32>
    %mul3A_118 = arith.mulf %mul3A_113, %mul3A_117 : vector<1000x128xf32>
    %get3A_119 = arith.constant 0 : index
    %get3A_120 = vector.load %arg14[%get3A_119] : memref<128xf32, #tpu.memory_space<vmem>>, vector<128xf32>
    %broadcast_in_dim3A_121 = vector.shape_cast %get3A_120 : vector<128xf32> to vector<1x128xf32>
    %add3A_122 = vector.broadcast %broadcast_in_dim3A_121 : vector<1x128xf32> to vector<1000x128xf32>
    %add3A_123 = arith.addf %mul3A_118, %add3A_122 : vector<1000x128xf32>
    %swap3A = arith.constant 0 : index
    %swap3A_124 = arith.constant 0 : index
    %swap3A_125 = vector.load %arg15[%swap3A, %swap3A_124] : memref<1000x128xf32, #tpu.memory_space<vmem>>, vector<1000x128xf32>
    tpu.vector_store %arg15[%swap3A, %swap3A_124], %add3A_123 {strides = array<i32>} : memref<1000x128xf32, #tpu.memory_space<vmem>>, vector<1000x128xf32>,
    return
  }
  func.func @transform_0(%arg0: i32) -> (i32, i32, i32) {
    %c0_i32 = arith.constant 0 : i32
    %c0_i32_0 = arith.constant 0 : i32
    %c0_i32_1 = arith.constant 0 : i32
    return %c0_i32, %arg0, %c0_i32_0 : i32, i32, i32
  }
  func.func @transform_1(%arg0: i32) -> (i32, i32, i32) {
    %c0_i32 = arith.constant 0 : i32
    %c0_i32_0 = arith.constant 0 : i32
    %c0_i32_1 = arith.constant 0 : i32
    return %c0_i32, %arg0, %c0_i32_0 : i32, i32, i32
  }
  func.func @transform_2(%arg0: i32) -> (i32, i32) {
    %c0_i32 = arith.constant 0 : i32
    %c0_i32_0 = arith.constant 0 : i32
    return %arg0, %c0_i32 : i32, i32
  }
  func.func @transform_3(%arg0: i32) -> (i32, i32) {
    %c0_i32 = arith.constant 0 : i32
    %c0_i32_0 = arith.constant 0 : i32
    %c0_i32_1 = arith.constant 0 : i32
    return %c0_i32, %c0_i32_0 : i32, i32
  }
  func.func @transform_4(%arg0: i32) -> (i32, i32) {
    %c0_i32 = arith.constant 0 : i32
    %c0_i32_0 = arith.constant 0 : i32
    %c0_i32_1 = arith.constant 0 : i32
    return %c0_i32, %c0_i32_0 : i32, i32
  }
  func.func @transform_5(%arg0: i32) -> i32 {
    %c0_i32 = arith.constant 0 : i32
    %c0_i32_0 = arith.constant 0 : i32
    return %c0_i32 : i32
  }
  func.func @transform_6(%arg0: i32) -> i32 {
    %c0_i32 = arith.constant 0 : i32
    %c0_i32_0 = arith.constant 0 : i32
    return %c0_i32 : i32
  }
  func.func @transform_7(%arg0: i32) -> i32 {
    %c0_i32 = arith.constant 0 : i32
    %c0_i32_0 = arith.constant 0 : i32
    return %c0_i32 : i32
  }
  func.func @transform_8(%arg0: i32) -> (i32, i32) {
    %c0_i32 = arith.constant 0 : i32
    %c0_i32_0 = arith.constant 0 : i32
    %c0_i32_1 = arith.constant 0 : i32
    return %c0_i32, %c0_i32_0 : i32, i32
  }
  func.func @transform_9(%arg0: i32) -> i32 {
    %c0_i32 = arith.constant 0 : i32
    %c0_i32_0 = arith.constant 0 : i32
    return %c0_i32 : i32
  }
  func.func @transform_10(%arg0: i32) -> (i32, i32) {
    %c0_i32 = arith.constant 0 : i32
    %c0_i32_0 = arith.constant 0 : i32
    %c0_i32_1 = arith.constant 0 : i32
    return %c0_i32, %c0_i32_0 : i32, i32
  }
  func.func @transform_11(%arg0: i32) -> i32 {
    %c0_i32 = arith.constant 0 : i32
    %c0_i32_0 = arith.constant 0 : i32
    return %c0_i32 : i32
  }
  func.func @transform_12(%arg0: i32) -> i32 {
    %c0_i32 = arith.constant 0 : i32
    %c0_i32_0 = arith.constant 0 : i32
    return %c0_i32 : i32
  }
  func.func @transform_13(%arg0: i32) -> i32 {
    %c0_i32 = arith.constant 0 : i32
    %c0_i32_0 = arith.constant 0 : i32
    return %c0_i32 : i32
  }
  func.func @transform_14(%arg0: i32) -> (i32, i32) {
    %c0_i32 = arith.constant 0 : i32
    %c0_i32_0 = arith.constant 0 : i32
    return %arg0, %c0_i32 : i32, i32
  }
}

</mosaic_0001>

<sc_bundles>
// kernel: kernel.10.cloned.1.call-start
scs
__scs_entry_jumppad:
0x0: {  	(pc) =	sbr.rel $0x88, $3  }
0x1: {  	(tag) =	ssettag $0x0;
	lr =	simm.s32 $0x1  }
0x2: {  	[smem:$0x3F90] =	sst lr;
	_ =	strace $0xD0000000  }
0x3: {  	_ = 	snop  }
0x4: {  	_ = 	snop  }
0x5: {  	_ = 	snop  }
0x6: {  	_ = 	snop  }
0x7: {  	_ = 	snop  }
__scs_overlays_trampoline_lowered:
0x8: {  	[smem:$0x3F9F] =	sst s0  }
0x9: {  	[smem:$0x3FA0] =	sst s1  }
0xa: {  	[smem:$0x3FA1] =	sst s2  }
0xb: {  	[smem:$0x3FA2] =	sst s3  }
0xc: {  	[smem:$0x3FA3] =	sst s4  }
0xd: {  	[smem:$0x3FA4] =	sst s5  }
0xe: {  	[smem:$0x3FA5] =	sst s6  }
0xf: {  	[smem:$0x3FA6] =	sst s7  }
0x10: {  	[smem:$0x3FA7] =	sst s8  }
0x11: {  	[smem:$0x3FA8] =	sst s9;
	s0 =	simm.s32 @!p0 $0x0  }
0x12: {  	s1 =	sld [smem:$0x3F8E];
	s0 =	simm.s32 @p0 $0x1  }
0x13: {  	[smem:$0x3FA9] =	sst s0;
	s0 =	simm.s32 @!p1 $0x0  }
0x14: {  	s2 =	sld [smem:$0x3F8D];
	s0 =	simm.s32 @p1 $0x1  }
0x15: {  	[smem:$0x3FAA] =	sst s0;
	s0 =	simm.s32 @!p2 $0x0  }
0x16: {  	s3 =	sld [smem:$0x3FDB];
	s0 =	simm.s32 @p2 $0x1  }
0x17: {  	s4 =	simm.s32 $0x1BF5;
	[smem:$0x3FAC] =	sst s0  }
0x18: {  	s0 =	sld [smem:$0x3F8F];
	_ =	swait.ge [sflag:s4], $0x0  }
0x19: {  	s7 =	sld [smem:$0x3F90]  }
0x1a: {  	s8 =	sadd.s32 $0xFFFFE003, lr  }
0x1b: {  	s9 =	sadd.s32 $0xFFFFFEF7, lr;
	s5 =	simm.s32 $0xFFFFFFFF;
	p2 =	slt.u32 s8, $0xFFFFF086  }
0x1c: {  	p1 =	slt.u32 s9, $0xF7A;
	s5 =	simm.s32 @!p2 $0x0  }
0x1d: {  	s5 =	simm.s32 @p1 $0x1;
	p0 =	seq.s32 s7, s2  }
0x1e: {  	s7 =	smul.u32 @!p0 $0xF7A, s2;
	p2 =	seq.s32 @!p0 s5, $0x0  }
0x1f: {  	s9 =	smul.u32 $0xF7A, s1;
	s8 =	simm.s32 @!p0 $0x1BF5;
	p2 =	por !p2, p0  }
0x20: {  	[sflag:s8] =	ssyncset.s32 @!p0 $0xFFFFF086;
	s6 =	sadd.s32 @!p0 s3, s7;
	s7 =	simm.s32 @!p0 $0x108  }
0x21: {  	s3 =	sadd.s32 s3, s9;
	s6 =	sadd.s32 @!p0 $0x88, s6;
	s7 =	simm.s32 @p2 $0x1082  }
0x22: {  	[simem:s7], [sflag:s8] =	dma.local @!p0 [hbm:s6], $0xF7A  }
0x23: {  	s9 =	sor.u32 $0xD0000000, s2;
	s6 =	simm.s32 $0x108;
	_ =	swait.ge @!p0 [sflag:s8], $0x0  }
0x24: {  	s3 =	sadd.s32 $0x88, s3;
	s6 =	simm.s32 @!p1 $0x1082;
	[sflag:s4] =	ssyncset.s32 $0xFFFFF086  }
0x25: {  	[simem:s6], [sflag:s4] =	dma.local [hbm:s3], $0xF7A  }
0x26: {  	[smem:$0x3F90] =	sst s1;
	(tag) =	ssettag s2;
	_ =	strace s9  }
0x27: {  	s1 =	sld [smem:$0x3FA0]  }
0x28: {  	s2 =	sld [smem:$0x3FA1]  }
0x29: {  	s4 =	sld [smem:$0x3FA3]  }
0x2a: {  	p0 =	seq.s32 s5, $0x0;
	s5 =	sld [smem:$0x3FA4]  }
0x2b: {  	s6 =	sld [smem:$0x3FA5]  }
0x2c: {  	s7 =	sld [smem:$0x3FA6]  }
0x2d: {  	s3 =	simm.s32 $0x108;
	s8 =	sld [smem:$0x3FA7]  }
0x2e: {  	s3 =	simm.s32 @!p0 $0x1082;
	s9 =	sld [smem:$0x3FA8]  }
0x2f: {  	lr =	sadd.s32 s0, s3;
	s0 =	sld [smem:$0x3F9F]  }
0x30: {  	s3 =	sld [smem:$0x3FA2]  }
0x31: {  	[smem:$0x3FAB] =	sst s10  }
0x32: {  	s10 =	sld [smem:$0x3FA9];
	_ =	sdelay $0x3  }
0x33: {  	p0 =	seq.s32 s10, $0x1;
	s10 =	sld [smem:$0x3FAB];
	_ =	sdelay $0x3  }
0x34: {  	[smem:$0x3FAB] =	sst s10  }
0x35: {  	s10 =	sld [smem:$0x3FAA];
	_ =	sdelay $0x3  }
0x36: {  	p1 =	seq.s32 s10, $0x1;
	s10 =	sld [smem:$0x3FAB];
	_ =	sdelay $0x3  }
0x37: {  	[smem:$0x3FAB] =	sst s10  }
0x38: {  	s10 =	sld [smem:$0x3FAC]  }
0x39: {  	_ = 	snop;
	(pc) =	sbr.ind lr, $3  }
0x3a: {  	_ = 	snop  }
0x3b: {  	_ = 	snop  }
0x3c: {  	p2 =	seq.s32 s10, $0x1;
	s10 =	sld [smem:$0x3FAB]  }
0x3d: {  	_ =	shalt  }
0x3e: {  	_ =	shalt  }
0x3f: {  	_ =	shalt  }
0x40: {  	_ =	shalt  }
0x41: {  	_ =	shalt  }
0x42: {  	_ =	shalt  }
0x43: {  	_ =	shalt  }
0x44: {  	_ =	shalt  }
0x45: {  	_ =	shalt  }
0x46: {  	_ =	shalt  }
0x47: {  	_ =	shalt  }
0x48: {  	_ =	shalt  }
0x49: {  	_ =	shalt  }
0x4a: {  	_ =	shalt  }
0x4b: {  	_ =	shalt  }
0x4c: {  	_ =	shalt  }
0x4d: {  	_ =	shalt  }
0x4e: {  	_ =	shalt  }
0x4f: {  	_ =	shalt  }
0x50: {  	_ =	shalt  }
0x51: {  	_ =	shalt  }
0x52: {  	_ =	shalt  }
0x53: {  	_ =	shalt  }
0x54: {  	_ =	shalt  }
0x55: {  	_ =	shalt  }
0x56: {  	_ =	shalt  }
0x57: {  	_ =	shalt  }
0x58: {  	_ =	shalt  }
0x59: {  	_ =	shalt  }
0x5a: {  	_ =	shalt  }
0x5b: {  	_ =	shalt  }
0x5c: {  	_ =	shalt  }
0x5d: {  	_ =	shalt  }
0x5e: {  	_ =	shalt  }
0x5f: {  	_ =	shalt  }
0x60: {  	_ =	shalt  }
0x61: {  	_ =	shalt  }
0x62: {  	_ =	shalt  }
0x63: {  	_ =	shalt  }
0x64: {  	_ =	shalt  }
0x65: {  	_ =	shalt  }
0x66: {  	_ =	shalt  }
0x67: {  	_ =	shalt  }
0x68: {  	_ =	shalt  }
0x69: {  	_ =	shalt  }
0x6a: {  	_ =	shalt  }
0x6b: {  	_ =	shalt  }
0x6c: {  	_ =	shalt  }
0x6d: {  	_ =	shalt  }
0x6e: {  	_ =	shalt  }
0x6f: {  	_ =	shalt  }
0x70: {  	_ =	shalt  }
0x71: {  	_ =	shalt  }
0x72: {  	_ =	shalt  }
0x73: {  	_ =	shalt  }
0x74: {  	_ =	shalt  }
0x75: {  	_ =	shalt  }
0x76: {  	_ =	shalt  }
0x77: {  	_ =	shalt  }
0x78: {  	_ =	shalt  }
0x79: {  	_ =	shalt  }
0x7a: {  	_ =	shalt  }
0x7b: {  	_ =	shalt  }
0x7c: {  	_ =	shalt  }
0x7d: {  	_ =	shalt  }
0x7e: {  	_ =	shalt  }
0x7f: {  	_ =	shalt  }
0x80: {  	_ =	shalt  }
0x81: {  	_ =	shalt  }
0x82: {  	_ =	shalt  }
0x83: {  	_ =	shalt  }
0x84: {  	_ =	shalt  }
0x85: {  	_ =	shalt  }
0x86: {  	_ =	shalt  }
0x87: {  	_ =	shalt  }
.Lfunc_end0:
.L_simem_size_0:
called_computation.1_lowered:
.L_overlay_start_0:
0x88: {  	s2 =	sld [smem:$0x3FD9]  }
0x89: {  	s3 =	sld [smem:$0x3FFE];
	_ =	sdelay $0x1  }
0x8a: {  	s1 =	srdreg.scid  }
0x8b: {  	s0 =	sand.u32 $0x1, s1  }
0x8c: {  	s16 =	sshll.u32 s0, $0xA;
	s2 =	sadd.s32 s3, s2  }
0x8d: {  	s2 =	sadd.s32 s2, s16  }
0x8e: {  	[smem:$0x3FB7] =	sst s2  }
0x8f: {  	_ = 	snop  }
0x90: {  	(tm) =	ssettm $0x1  }
0x91: {  	s17 =	sld [smem:$0x3FFB];
	_ =	sdelay $0x3  }
0x92: {  	_ =	strace s17  }
0x93: {  	s2 =	sld [smem:$0x3FFC];
	_ =	sdelay $0x3  }
0x94: {  	_ =	strace s2  }
0x95: {  	s2 =	sld [smem:$0x3FFD];
	_ =	sdelay $0x3  }
0x96: {  	_ =	strace s2  }
0x97: {  	_ =	strace $0x8FFFFFFF  }
0x98: {  	s18 =	sld [smem:$0x3FDB];
	_ =	sdelay $0x1  }
0x99: {  	s19 =	simm.s32 $_scs_section_size  }
0x9a: {  	s4 =	simm.s32 $_size__tile_overlayer_lowered;
	s5 =	simm.s32 $_tile_overlayer_lowered  }
0x9b: {  	s22 =	simm.s32 $0x1BFF;
	s21 =	sshll.u32 s5, $0x1;
	s2 =	sadd.s32 s19, s18  }
0x9c: {  	s6 =	simm.s32 $0x0;
	s20 =	sshll.u32 s4, $0x1;
	s4 =	sadd.s32 s21, s2  }
0x9d: {  	[timem:s6], [sflag:s22] =	dma.local [hbm:s4], s20  }
0x9e: {  	_ =	swait.ge [sflag:s22], s20  }
0x9f: {  	s3 =	ssub.s32 $0x0, s20;
	[sflag:s22] =	ssyncset.done $0x0  }
0xa0: {  	[sflag:s22] =	ssyncadd.s32 s3;
	_ =	sdelay $0x1  }
0xa1: {  	s23 =	simm.s32 $0x1B8B  }
0xa2: {  	_ =	swait.ge [sflag:s23], $0x1  }
0xa3: {  	[sflag:s23] =	ssyncset.done $0x0  }
0xa4: {  	s25 =	simm.s32 $0x1B8E;
	s24 =	sld [smem:$0x3FFE];
	[sflag:s23] =	ssyncadd.s32 $0xFFFFFFFF  }
0xa5: {  	s26 =	simm.s32 $execute0_lowered;
	[smem:$0x3FD2] =	sst s25  }
0xa6: {  	s4 =	sshll.u32 s26, $0x1;
	_ =	strace $0x80000049;
	[dreg:$0x1] =	wrdreg $0xFFFFFFFF  }
0xa7: {  	s28 =	simm.s32 $_size_execute0_lowered;
	s2 =	sadd.s32 s2, s4;
	[dreg:$0x0] =	wrdreg $0x0  }
0xa8: {  	s4 =	sshll.u32 s28, $0x1;
	[dreg:$0x2] =	wrdreg s2  }
0xa9: {  	[dreg:$0x3] =	wrdreg s4  }
0xaa: {  	[dreg:$0x4] =	wrdreg $0xC0  }
0xab: {  	_ =	task [dreg:s6], $0x5FFFF  }
0xac: {  	[dreg:$0x1] =	wrdreg $0xFFFFFFFF  }
0xad: {  	[dreg:$0x0] =	wrdreg $0x60  }
0xae: {  	[dreg:$0x2] =	wrdreg s24  }
0xaf: {  	[dreg:$0x3] =	wrdreg $0x50800  }
0xb0: {  	[dreg:$0x4] =	wrdreg $0x9  }
0xb1: {  	_ =	task.clear_ibuf [dreg:s6], $0x5FFFF;
	_ =	strace $0x90000049  }
0xb2: {  	s29 =	simm.s32 $0x9;
	_ =	strace $0x8000004B  }
0xb3: {  	_ =	swait.ge [sflag:s29], $0x1  }
0xb4: {  	[sflag:s29] =	ssyncadd.s32 $0xFFFFFFFF  }
0xb5: {  	_ =	strace $0x9000004B  }
0xb6: {  	_ =	sfence  }
0xb7: {  	s30 =	sld [smem:$0x0];
	_ =	sdelay $0x2  }
0xb8: {  	s31 =	sshll.u32 s1, $0xD;
	s1 =	sshrl.u32 s1, $0x2  }
0xb9: {  	s3 =	sand.u32 $0x4000, s31;
	s1 =	sadd.s32 s1, s30  }
0xba: {  	s0 =	sor.u32 s3, s0;
	s1 =	sshll.u32 s1, $0x11  }
0xbb: {  	s0 =	sor.u32 s1, s0  }
0xbc: {  	s0 =	sadd.s32 $0x8F2B, s0  }
0xbd: {  	[sflag:s0] =	ssyncadd.remote.s32 $0x1  }
0xbe: {  	_ =	sfence.sel $0xFFFF  }
0xbf: {  	[dreg:$0x0] =	wrdreg $0xFFFFFFFF;
	(pc) =	sbr.abs _section_cstart, $3  }
0xc0: {  	[dreg:$0x1] =	wrdreg $0xFFFFFFFF  }
0xc1: {  	_ =	task.clear_ibuf [dreg:s6], $0x2FFFF;
	_ =	strace $0x9FFFFFFF  }
0xc2: {  	(tm) =	ssettm $0x7FFFFFFF  }
0xc3: {  	_ =	shalt  }
tec
execute0_lowered:
.L_overlay_start_1:
0x0: {  	(tag) =	ssettag $0x1  }
0x1: {  	s6 =	rddreg [dreg:$0x0]  }
0x2: {  	s2 =	rddreg [dreg:$0x1]  }
0x3: {  	s0 =	rddreg [dreg:$0x2];
	s3 =	simm.s32 $0x0;
	s1 =	stileid.u32  }
0x4: {  	s4 =	srdreg.scid;
	s14 =	simm.s32 $0x50;
	s15 =	simm.s32 $0x2880  }
0x5: {  	s16 =	simm.s32 $0x0;
	[smem:$0x7FF] =	sst s3;
	s7 =	smul.u32 $0x14000, s1  }
0x6: {  	s8 =	sand.u32 $0x1, s4;
	s4 =	sadd.s32 $0x9DB400, s6;
	s5 =	sadd.s32 $0xD600, s6  }
0x7: {  	s12 =	smul.u32 $0x50000, s1;
	s29 =	sshll.u32 s1, $0x1;
	s31 =	sshll.u32 s1, $0x6  }
0x8: {  	_ =	strace $0x8000004A;
	s9 =	smul.u32 $0x140000, s8;
	s28 =	ssub.s32 $0x2, s8  }
0x9: {  	s8 =	sor.u32 s8, s29;
	s10 =	sshrl.u32 s7, $0x3;
	s11 =	sshrl.u32 s28, $0x1  }
0xa: {  	s30 =	sshrl.u32 s12, $0x2;
	s8 =	smul.u32 $0x2710, s8;
	s7 =	sadd.s32 s7, s9  }
0xb: {  	s10 =	sadd.s32 s10, s6;
	s11 =	ssub.s32 s28, s11;
	s7 =	sshrl.u32 s7, $0x3  }
0xc: {  	s12 =	sadd.s32 s30, s2;
	s13 =	sadd.s32 s7, s6;
	s6 =	sadd.s32 $0x65600, s10  }
0xd: {  	s7 =	sor.u32 $0x1C01, s31;
	s10 =	smax.u32 s11, $0x1;
	s11 =	sshrl.u32 s12, $0x3  }
0xe: {  	v0 =	vimm.f32 $0.0e+00;
	s12 =	simm.s32 $0x1;
	s9 =	sadd.s32 $0xDD600, s13;
	s13 =	simm.s32 $0x80  }
.LBB2_1:
0xf: {  	[spmem:s11], [sflag:s7] =	dma.local [hbm:s6], $0x2800  }
0x10: {  	_ =	swait.ge [sflag:s12], $0x2800  }
0x11: {  	[sflag:s12] =	ssyncset.done $0x0  }
0x12: {  	s17 =	simm.s32 $0x0;
	s18 =	simm.s32 $0x200;
	[sflag:s12] =	ssyncadd.s32 $0xFFFFD800  }
.LBB2_2:
0x13: {  	p0 =	sne.s32 s18, $0x9E00;
	[tilespmem:s17+$0x28F0] =	vst v0  }
0x14: {  	[tilespmem:s17+$0x2880] =	vst v0  }
0x15: {  	[tilespmem:s17+$0x2890] =	vst v0  }
.Ltmp0:
0x16: {  	[tilespmem:s17+$0x28A0] =	vst v0;
	(pc) =	sbr.rel @p0 .LBB2_2-.Ltmp0, $4  }
0x17: {  	[tilespmem:s17+$0x28B0] =	vst v0  }
0x18: {  	[tilespmem:s17+$0x28C0] =	vst v0  }
0x19: {  	[tilespmem:s17+$0x28D0] =	vst v0  }
0x1a: {  	[tilespmem:s17+$0x28E0] =	vst v0;
	s17 =	sshra.s32 s18, $0x2;
	s18 =	sadd.s32 $0x200, s18  }
0x1b: {  	[tilespmem:s17+$0x28F0] =	vst v0  }
0x1c: {  	[tilespmem:s17+$0x2880] =	vst v0  }
0x1d: {  	[tilespmem:s17+$0x2890] =	vst v0  }
0x1e: {  	[tilespmem:s17+$0x28A0] =	vst v0  }
0x1f: {  	[tilespmem:s17+$0x28B0] =	vst v0  }
0x20: {  	[tilespmem:s17+$0x28C0] =	vst v0  }
0x21: {  	[tilespmem:s17+$0x28D0] =	vst v0  }
0x22: {  	[tilespmem:s17+$0x28E0] =	vst v0  }
0x23: {  	s17 =	simm.s32 $0x0;
	s18 =	simm.s32 $0x0;
	[bflag:$0x0] =	sbarrier.arrive $0xFFFF  }
.LBB2_4:
0x24: {  	s19 =	smul.u32 $0x50, s18;
	_ =	sdelay $0x1  }
0x25: {  	s19 =	sadd.s32 s8, s19  }
0x26: {  	s20 =	sshrl.u32 s19, $0x3  }
0x27: {  	s20 =	sadd.s32 s5, s20  }
0x28: {  	[tilespmem:s17], [sflag:$0x1] =	stream.linear.gather [hbm4b:s20+s17], $0x50, $0x38;
	[tilespmem:$0x19080] =	vst v63  }
0x29: {  	_ =	swait.ge [sflag:s12], $0x50  }
0x2a: {  	s19 =	sshll.u32 s19, $0x4;
	[sflag:s12] =	ssyncset.done $0x0  }
0x2b: {  	s19 =	sadd.s32 s4, s19;
	[sflag:s12] =	ssyncadd.s32 $0xFFFFFFB0  }
0x2c: {  	[tilespmem:s13], [sflag:$0x1] =	stream.linear.gather [hbm4b:s19+s17], $0x2800, $0x38;
	[tilespmem:$0x19080] =	vst v63  }
0x2d: {  	_ =	swait.ge [sflag:s12], $0x2800  }
0x2e: {  	[sflag:s12] =	ssyncset.done $0x0  }
0x2f: {  	s19 =	simm.s32 $0x0;
	[sflag:s12] =	ssyncadd.s32 $0xFFFFD800  }
0x30: {  	s20 =	simm.s32 $0x200;
	v1 =	vld [tilespmem:s19+$0x80]  }
.LBB2_5:
0x31: {  	p0 =	sne.s32 s20, $0x9E00  }
.Ltmp1:
0x32: {  	_ = 	snop;
	(pc) =	sbr.rel @p0 .LBB2_5-.Ltmp1, $3  }
0x33: {  	_ =	sdelay $0x1  }
0x34: {  	[tilespmem:s19+$0x2880] =	vst v1;
	s19 =	sshra.s32 s20, $0x2;
	s20 =	sadd.s32 $0x200, s20  }
0x35: {  	v1 =	vld [tilespmem:s19+$0x80]  }
0x36: {  	_ =	sdelay $0x1  }
0x37: {  	s18 =	sadd.s32 $0x1, s18  }
0x38: {  	p0 =	sne.s32 s18, $0x7D  }
.Ltmp2:
0x39: {  	[tilespmem:s19+$0x2880] =	vst v1;
	(pc) =	sbr.rel @p0 .LBB2_4-.Ltmp2, $4  }
0x3a: {  	[spmem:s2] =	stream.indirect.scatter.add.f32 [tilespmem:s15], [sflag:$0x1], $0x80, s3, s14, $0xb8;
	[tilespmem:$0x19080] =	vst v63  }
0x3b: {  	_ =	swait.ge [sflag:s12], $0x2800  }
0x3c: {  	[sflag:s12] =	ssyncset.done $0x0  }
0x3d: {  	[sflag:s12] =	ssyncadd.s32 $0xFFFFD800  }
0x3e: {  	s16 =	sadd.s32 $0x1, s16  }
0x3f: {  	p0 =	sne.s32 s16, s10  }
.Ltmp3:
0x40: {  	[bflag:$0x0] =	sbarrier.arrive $0xFFFF;
	(pc) =	sbr.rel @p0 .LBB2_1-.Ltmp3, $4  }
0x41: {  	[hbm:s9], [sflag:s7] =	dma.local [spmem:s11], $0x2800  }
0x42: {  	_ =	swait.ge [sflag:s12], $0x2800  }
0x43: {  	[sflag:s12] =	ssyncset.done $0x0  }
0x44: {  	[sflag:s12] =	ssyncadd.s32 $0xFFFFD800  }
0x45: {  	_ =	sfence.sel $0x180000  }
0x46: {  	[bflag:$0x0] =	sbarrier.arrive $0xFFFF  }
0x47: {  	p0 =	sne.s32 s1, $0x0;
	_ =	strace $0x9000004A  }
0x48: {  	s0 =	sadd.s32 @!p0 $0x100000, s0;
	[bflag:$0x2] =	sbarrier.arrive $0xFFFF  }
0x49: {  	[sflag:s0] =	ssyncadd.tile.s32 @!p0 $0x1;
	_ =	shalt  }
.Lfunc_end2:
_tile_overlayer_lowered:
.L_overlay_start_2:
0x4a: {  	(tag) =	ssettag $0x2  }
0x4b: {  	s0 =	rddreg [dreg:$0x0];
	s2 =	stileid.u32  }
0x4c: {  	s1 =	rddreg [dreg:$0x1];
	p0 =	sne.s32 s2, $0x0  }
0x4d: {  	s3 =	rddreg [dreg:$0x2];
	[bflag:$0x3] =	sbarrier.arrive $0xFFFF;
	s2 =	simm.s32 @!p0 $0x1C01  }
0x4e: {  	[timem:s3], [sflag:s2] =	dma.local @!p0 [hbm:s0], s1  }
0x4f: {  	s0 =	simm.s32 @!p0 $0x1  }
0x50: {  	_ =	swait.ge @!p0 [sflag:s0], s1  }
0x51: {  	s1 =	ssub.s32 @!p0 $0x0, s1;
	[sflag:s0] =	ssyncset.done @!p0 $0x0  }
0x52: {  	[sflag:s0] =	ssyncadd.s32 @!p0 s1  }
0x53: {  	[bflag:$0x3] =	sbarrier.arrive $0xFFFF  }
0x54: {  	_ =	shalt  }

// kernel: kernel.7.cloned.1.call-start
scs
__scs_entry_jumppad:
0x0: {  	(pc) =	sbr.rel $0x88, $3  }
0x1: {  	(tag) =	ssettag $0x0;
	lr =	simm.s32 $0x1  }
0x2: {  	[smem:$0x3F90] =	sst lr;
	_ =	strace $0xD0000000  }
0x3: {  	_ = 	snop  }
0x4: {  	_ = 	snop  }
0x5: {  	_ = 	snop  }
0x6: {  	_ = 	snop  }
0x7: {  	_ = 	snop  }
__scs_overlays_trampoline_lowered:
0x8: {  	[smem:$0x3F9F] =	sst s0  }
0x9: {  	[smem:$0x3FA0] =	sst s1  }
0xa: {  	[smem:$0x3FA1] =	sst s2  }
0xb: {  	[smem:$0x3FA2] =	sst s3  }
0xc: {  	[smem:$0x3FA3] =	sst s4  }
0xd: {  	[smem:$0x3FA4] =	sst s5  }
0xe: {  	[smem:$0x3FA5] =	sst s6  }
0xf: {  	[smem:$0x3FA6] =	sst s7  }
0x10: {  	[smem:$0x3FA7] =	sst s8  }
0x11: {  	[smem:$0x3FA8] =	sst s9;
	s0 =	simm.s32 @!p0 $0x0  }
0x12: {  	s1 =	sld [smem:$0x3F8E];
	s0 =	simm.s32 @p0 $0x1  }
0x13: {  	[smem:$0x3FA9] =	sst s0;
	s0 =	simm.s32 @!p1 $0x0  }
0x14: {  	s2 =	sld [smem:$0x3F8D];
	s0 =	simm.s32 @p1 $0x1  }
0x15: {  	[smem:$0x3FAA] =	sst s0;
	s0 =	simm.s32 @!p2 $0x0  }
0x16: {  	s3 =	sld [smem:$0x3FDB];
	s0 =	simm.s32 @p2 $0x1  }
0x17: {  	s4 =	simm.s32 $0x1BF5;
	[smem:$0x3FAC] =	sst s0  }
0x18: {  	s0 =	sld [smem:$0x3F8F];
	_ =	swait.ge [sflag:s4], $0x0  }
0x19: {  	s7 =	sld [smem:$0x3F90]  }
0x1a: {  	s8 =	sadd.s32 $0xFFFFE003, lr  }
0x1b: {  	s9 =	sadd.s32 $0xFFFFFEF7, lr;
	s5 =	simm.s32 $0xFFFFFFFF;
	p2 =	slt.u32 s8, $0xFFFFF086  }
0x1c: {  	p1 =	slt.u32 s9, $0xF7A;
	s5 =	simm.s32 @!p2 $0x0  }
0x1d: {  	s5 =	simm.s32 @p1 $0x1;
	p0 =	seq.s32 s7, s2  }
0x1e: {  	s7 =	smul.u32 @!p0 $0xF7A, s2;
	p2 =	seq.s32 @!p0 s5, $0x0  }
0x1f: {  	s9 =	smul.u32 $0xF7A, s1;
	s8 =	simm.s32 @!p0 $0x1BF5;
	p2 =	por !p2, p0  }
0x20: {  	[sflag:s8] =	ssyncset.s32 @!p0 $0xFFFFF086;
	s6 =	sadd.s32 @!p0 s3, s7;
	s7 =	simm.s32 @!p0 $0x108  }
0x21: {  	s3 =	sadd.s32 s3, s9;
	s6 =	sadd.s32 @!p0 $0x88, s6;
	s7 =	simm.s32 @p2 $0x1082  }
0x22: {  	[simem:s7], [sflag:s8] =	dma.local @!p0 [hbm:s6], $0xF7A  }
0x23: {  	s9 =	sor.u32 $0xD0000000, s2;
	s6 =	simm.s32 $0x108;
	_ =	swait.ge @!p0 [sflag:s8], $0x0  }
0x24: {  	s3 =	sadd.s32 $0x88, s3;
	s6 =	simm.s32 @!p1 $0x1082;
	[sflag:s4] =	ssyncset.s32 $0xFFFFF086  }
0x25: {  	[simem:s6], [sflag:s4] =	dma.local [hbm:s3], $0xF7A  }
0x26: {  	[smem:$0x3F90] =	sst s1;
	(tag) =	ssettag s2;
	_ =	strace s9  }
0x27: {  	s1 =	sld [smem:$0x3FA0]  }
0x28: {  	s2 =	sld [smem:$0x3FA1]  }
0x29: {  	s4 =	sld [smem:$0x3FA3]  }
0x2a: {  	p0 =	seq.s32 s5, $0x0;
	s5 =	sld [smem:$0x3FA4]  }
0x2b: {  	s6 =	sld [smem:$0x3FA5]  }
0x2c: {  	s7 =	sld [smem:$0x3FA6]  }
0x2d: {  	s3 =	simm.s32 $0x108;
	s8 =	sld [smem:$0x3FA7]  }
0x2e: {  	s3 =	simm.s32 @!p0 $0x1082;
	s9 =	sld [smem:$0x3FA8]  }
0x2f: {  	lr =	sadd.s32 s0, s3;
	s0 =	sld [smem:$0x3F9F]  }
0x30: {  	s3 =	sld [smem:$0x3FA2]  }
0x31: {  	[smem:$0x3FAB] =	sst s10  }
0x32: {  	s10 =	sld [smem:$0x3FA9];
	_ =	sdelay $0x3  }
0x33: {  	p0 =	seq.s32 s10, $0x1;
	s10 =	sld [smem:$0x3FAB];
	_ =	sdelay $0x3  }
0x34: {  	[smem:$0x3FAB] =	sst s10  }
0x35: {  	s10 =	sld [smem:$0x3FAA];
	_ =	sdelay $0x3  }
0x36: {  	p1 =	seq.s32 s10, $0x1;
	s10 =	sld [smem:$0x3FAB];
	_ =	sdelay $0x3  }
0x37: {  	[smem:$0x3FAB] =	sst s10  }
0x38: {  	s10 =	sld [smem:$0x3FAC]  }
0x39: {  	_ = 	snop;
	(pc) =	sbr.ind lr, $3  }
0x3a: {  	_ = 	snop  }
0x3b: {  	_ = 	snop  }
0x3c: {  	p2 =	seq.s32 s10, $0x1;
	s10 =	sld [smem:$0x3FAB]  }
0x3d: {  	_ =	shalt  }
0x3e: {  	_ =	shalt  }
0x3f: {  	_ =	shalt  }
0x40: {  	_ =	shalt  }
0x41: {  	_ =	shalt  }
0x42: {  	_ =	shalt  }
0x43: {  	_ =	shalt  }
0x44: {  	_ =	shalt  }
0x45: {  	_ =	shalt  }
0x46: {  	_ =	shalt  }
0x47: {  	_ =	shalt  }
0x48: {  	_ =	shalt  }
0x49: {  	_ =	shalt  }
0x4a: {  	_ =	shalt  }
0x4b: {  	_ =	shalt  }
0x4c: {  	_ =	shalt  }
0x4d: {  	_ =	shalt  }
0x4e: {  	_ =	shalt  }
0x4f: {  	_ =	shalt  }
0x50: {  	_ =	shalt  }
0x51: {  	_ =	shalt  }
0x52: {  	_ =	shalt  }
0x53: {  	_ =	shalt  }
0x54: {  	_ =	shalt  }
0x55: {  	_ =	shalt  }
0x56: {  	_ =	shalt  }
0x57: {  	_ =	shalt  }
0x58: {  	_ =	shalt  }
0x59: {  	_ =	shalt  }
0x5a: {  	_ =	shalt  }
0x5b: {  	_ =	shalt  }
0x5c: {  	_ =	shalt  }
0x5d: {  	_ =	shalt  }
0x5e: {  	_ =	shalt  }
0x5f: {  	_ =	shalt  }
0x60: {  	_ =	shalt  }
0x61: {  	_ =	shalt  }
0x62: {  	_ =	shalt  }
0x63: {  	_ =	shalt  }
0x64: {  	_ =	shalt  }
0x65: {  	_ =	shalt  }
0x66: {  	_ =	shalt  }
0x67: {  	_ =	shalt  }
0x68: {  	_ =	shalt  }
0x69: {  	_ =	shalt  }
0x6a: {  	_ =	shalt  }
0x6b: {  	_ =	shalt  }
0x6c: {  	_ =	shalt  }
0x6d: {  	_ =	shalt  }
0x6e: {  	_ =	shalt  }
0x6f: {  	_ =	shalt  }
0x70: {  	_ =	shalt  }
0x71: {  	_ =	shalt  }
0x72: {  	_ =	shalt  }
0x73: {  	_ =	shalt  }
0x74: {  	_ =	shalt  }
0x75: {  	_ =	shalt  }
0x76: {  	_ =	shalt  }
0x77: {  	_ =	shalt  }
0x78: {  	_ =	shalt  }
0x79: {  	_ =	shalt  }
0x7a: {  	_ =	shalt  }
0x7b: {  	_ =	shalt  }
0x7c: {  	_ =	shalt  }
0x7d: {  	_ =	shalt  }
0x7e: {  	_ =	shalt  }
0x7f: {  	_ =	shalt  }
0x80: {  	_ =	shalt  }
0x81: {  	_ =	shalt  }
0x82: {  	_ =	shalt  }
0x83: {  	_ =	shalt  }
0x84: {  	_ =	shalt  }
0x85: {  	_ =	shalt  }
0x86: {  	_ =	shalt  }
0x87: {  	_ =	shalt  }
.Lfunc_end0:
.L_simem_size_0:
called_computation_lowered:
.L_overlay_start_0:
0x88: {  	s2 =	sld [smem:$0x3FD9]  }
0x89: {  	s3 =	sld [smem:$0x3FFE];
	_ =	sdelay $0x1  }
0x8a: {  	s1 =	srdreg.scid  }
0x8b: {  	s0 =	sand.u32 $0x1, s1  }
0x8c: {  	s17 =	sshll.u32 s0, $0xA;
	s2 =	sadd.s32 s3, s2  }
0x8d: {  	s2 =	sadd.s32 s2, s17  }
0x8e: {  	[smem:$0x3FB7] =	sst s2  }
0x8f: {  	_ = 	snop  }
0x90: {  	s2 =	sld [smem:$0x3FD0];
	(tm) =	ssettm $0x1  }
0x91: {  	s18 =	sld [smem:$0x3FFB];
	_ =	sdelay $0x3  }
0x92: {  	_ =	strace s18  }
0x93: {  	s3 =	sld [smem:$0x3FFC];
	_ =	sdelay $0x3  }
0x94: {  	_ =	strace s3  }
0x95: {  	s3 =	sld [smem:$0x3FFD];
	_ =	sdelay $0x3  }
0x96: {  	_ =	strace s3  }
0x97: {  	_ =	strace $0x8FFFFFFF  }
0x98: {  	s19 =	sld [smem:$0x3FDB];
	_ =	sdelay $0x1  }
0x99: {  	s4 =	simm.s32 $_scs_section_size  }
0x9a: {  	s5 =	simm.s32 $_size__tile_overlayer_lowered;
	s6 =	simm.s32 $_tile_overlayer_lowered  }
0x9b: {  	s22 =	simm.s32 $0x1BFF;
	s21 =	sshll.u32 s6, $0x1;
	s3 =	sadd.s32 s4, s19  }
0x9c: {  	s7 =	simm.s32 $0x0;
	s20 =	sshll.u32 s5, $0x1;
	s5 =	sadd.s32 s21, s3  }
0x9d: {  	[timem:s7], [sflag:s22] =	dma.local [hbm:s5], s20  }
0x9e: {  	_ =	swait.ge [sflag:s22], s20  }
0x9f: {  	s4 =	ssub.s32 $0x0, s20;
	[sflag:s22] =	ssyncset.done $0x0  }
0xa0: {  	[sflag:s22] =	ssyncadd.s32 s4;
	_ =	sdelay $0x1  }
0xa1: {  	s23 =	simm.s32 $0x1B8B  }
0xa2: {  	_ =	swait.ge [sflag:s23], $0x1  }
0xa3: {  	[sflag:s23] =	ssyncset.done $0x0  }
0xa4: {  	s25 =	simm.s32 $0x1B8E;
	s24 =	sld [smem:$0x3FFE];
	[sflag:s23] =	ssyncadd.s32 $0xFFFFFFFF  }
0xa5: {  	s26 =	simm.s32 $execute0_lowered;
	[smem:$0x3FD2] =	sst s25  }
0xa6: {  	s5 =	sshll.u32 s26, $0x1;
	_ =	strace $0x80000046;
	[dreg:$0x1] =	wrdreg $0xFFFFFFFF  }
0xa7: {  	s28 =	simm.s32 $_size_execute0_lowered;
	s3 =	sadd.s32 s3, s5;
	[dreg:$0x0] =	wrdreg $0x0  }
0xa8: {  	s5 =	sshll.u32 s28, $0x1;
	[dreg:$0x2] =	wrdreg s3  }
0xa9: {  	[dreg:$0x3] =	wrdreg s5  }
0xaa: {  	[dreg:$0x4] =	wrdreg $0xC0  }
0xab: {  	_ =	task [dreg:s7], $0x5FFFF  }
0xac: {  	[dreg:$0x1] =	wrdreg $0xFFFFFFFF  }
0xad: {  	[dreg:$0x0] =	wrdreg $0x60  }
0xae: {  	[dreg:$0x2] =	wrdreg s24  }
0xaf: {  	[dreg:$0x3] =	wrdreg s2  }
0xb0: {  	[dreg:$0x4] =	wrdreg $0x79000  }
0xb1: {  	[dreg:$0x5] =	wrdreg $0x9  }
0xb2: {  	_ =	task.clear_ibuf [dreg:s7], $0x6FFFF;
	_ =	strace $0x90000046  }
0xb3: {  	s29 =	simm.s32 $0x9;
	_ =	strace $0x80000048  }
0xb4: {  	_ =	swait.ge [sflag:s29], $0x1  }
0xb5: {  	[sflag:s29] =	ssyncadd.s32 $0xFFFFFFFF  }
0xb6: {  	_ =	strace $0x90000048  }
0xb7: {  	_ =	sfence  }
0xb8: {  	s30 =	sld [smem:$0x0];
	_ =	sdelay $0x2  }
0xb9: {  	s31 =	sshll.u32 s1, $0xD;
	s1 =	sshrl.u32 s1, $0x2  }
0xba: {  	s3 =	sand.u32 $0x4000, s31;
	s1 =	sadd.s32 s1, s30  }
0xbb: {  	s0 =	sor.u32 s3, s0;
	s1 =	sshll.u32 s1, $0x11  }
0xbc: {  	s0 =	sor.u32 s1, s0  }
0xbd: {  	s0 =	sadd.s32 $0x8F2B, s0  }
0xbe: {  	[sflag:s0] =	ssyncadd.remote.s32 $0x1  }
0xbf: {  	_ =	sfence.sel $0xFFFF  }
0xc0: {  	[dreg:$0x0] =	wrdreg $0xFFFFFFFF;
	(pc) =	sbr.abs _section_cstart, $3  }
0xc1: {  	[dreg:$0x1] =	wrdreg $0xFFFFFFFF  }
0xc2: {  	_ =	task.clear_ibuf [dreg:s7], $0x2FFFF;
	_ =	strace $0x9FFFFFFF  }
0xc3: {  	(tm) =	ssettm $0x7FFFFFFF  }
tec
execute0_lowered:
.L_overlay_start_1:
0x0: {  	(tag) =	ssettag $0x1  }
0x1: {  	v0 =	vimm.s32 $0x76543210  }
0x2: {  	v2 =	vlaneseq.u32;
	v1 =	vimm.s32 $0xFEDCBA98;
	vm0 =	vmmov $0xffff  }
0x3: {  	s0 =	rddreg [dreg:$0x0];
	v6 =	vimm.s32 $0x32107654;
	v7 =	vimm.s32 $0x3210FEDC;
	v9 =	vimm.s32 $0xBA983210  }
0x4: {  	s11 =	rddreg [dreg:$0x2];
	v10 =	vimm.s32 $0xDCFE98BA;
	v11 =	vimm.s32 $0x54761032;
	v12 =	vimm.s32 $0x67452301  }
0x5: {  	s1 =	simm.s32 $0x0;
	s12 =	stileid.u32;
	s21 =	srdreg.scid;
	vm1 =	vmmov $0xff;
	v13 =	vimm.s32 $0x2;
	v14 =	vimm.s32 $0x3  }
0x6: {  	s16 =	simm.s32 $0x3;
	s17 =	simm.s32 $0x80;
	s20 =	simm.s32 $0x1100;
	v15 =	vimm.s32 $0x4;
	v16 =	vimm.s32 $0x5;
	v17 =	vimm.s32 $0x6  }
0x7: {  	s28 =	simm.s32 $0x2;
	v18 =	vimm.s32 $0x7;
	s29 =	simm.s32 $0x5100;
	s30 =	simm.s32 $0x6500;
	v3 =	vunpack.c.l.s4.s8 v0;
	v5 =	vunpack.c.l.s4.s8 v1  }
0x8: {  	v0 =	vand.u32 $0x7, v2;
	v4 =	vshrl.u32 v2, $0x3;
	[smem:$0x7FF] =	sst s1;
	v6 =	vunpack.c.l.s4.s8 v6;
	s2 =	smul.u32 $0x14000, s12;
	s1 =	sand.u32 $0x1, s21  }
0x9: {  	s5 =	sadd.s32 $0x4F9400, s0;
	s6 =	sadd.s32 $0x17400, s0;
	s7 =	sadd.s32 $0x3800, s0;
	v1 =	vmul.u32 $0x8, v4;
	v4 =	vunpack.c.0.s8.s32 v5;
	v5 =	vimm.s32 $0xBA98FEDC  }
0xa: {  	v7 =	vunpack.c.l.s4.s8 v7;
	v9 =	vunpack.c.l.s4.s8 v9;
	s8 =	sadd.s32 $0xD600, s0;
	s10 =	smul.u32 $0x50000, s12;
	s9 =	sadd.s32 $0x9DB400, s0;
	v5 =	vunpack.c.l.s4.s8 v5  }
0xb: {  	v10 =	vunpack.c.l.s4.s8 v10;
	v11 =	vunpack.c.l.s4.s8 v11;
	v2 =	vor.u32 $0x8, v2;
	s24 =	sshll.u32 s12, $0x1;
	s26 =	sshll.u32 s12, $0x6;
	s21 =	simm.s32 $0x1900  }
0xc: {  	_ =	strace $0x80000047;
	s3 =	smul.u32 $0x140000, s1;
	s22 =	ssub.s32 $0x2, s1;
	v3 =	vunpack.c.0.s8.s32 v3;
	v6 =	vunpack.c.0.s8.s32 v6;
	v5 =	vunpack.c.0.s8.s32 v5  }
0xd: {  	s1 =	sor.u32 s1, s24;
	s24 =	simm.s32 $0x2900;
	s4 =	sshrl.u32 s2, $0x3;
	v7 =	vunpack.c.0.s8.s32 v7;
	v9 =	vunpack.c.0.s8.s32 v9;
	v8 =	vand.u32 $0xF, v4  }
0xe: {  	s23 =	sshrl.u32 s22, $0x1;
	s10 =	sshrl.u32 s10, $0x2;
	s12 =	smul.u32 $0x2710, s1;
	v3 =	vcombine.low v8, v3;
	v8 =	vunpack.c.0.s8.s32 v11;
	v5 =	vcombine.low v6, v5  }
0xf: {  	s4 =	sadd.s32 s4, s0;
	s2 =	sadd.s32 s2, s3;
	s25 =	sadd.s32 s10, s11;
	v6 =	vcombine.low v9, v7;
	v7 =	vunpack.c.0.s8.s32 v10;
	v10 =	vimm.s32 $0xDC985410  }
0x10: {  	v12 =	vunpack.c.l.s4.s8 v12;
	s2 =	sshrl.u32 s2, $0x3;
	s4 =	sadd.s32 $0x65600, s4;
	s1 =	sshrl.u32 s25, $0x3;
	v11 =	vimm.s32 $0xEFCDAB89;
	v10 =	vunpack.c.l.s4.s8 v10  }
0x11: {  	s25 =	simm.s32 $0x3D00;
	s2 =	sadd.s32 s2, s0;
	[dreg:$0x4] =	wrdreg s4;
	v11 =	vunpack.c.l.s4.s8 v11;
	v9 =	vcombine.low v4, v9;
	v7 =	vcombine.low v8, v7  }
0x12: {  	s0 =	ssub.s32 s22, s23;
	s4 =	sor.u32 $0x1C03, s26;
	[dreg:$0x8] =	wrdreg s1;
	v4 =	vand.u32 $0xF, v5;
	v5 =	vand.u32 $0xF, v6;
	v8 =	vunpack.c.0.s8.s32 v10  }
0x13: {  	s22 =	simm.s32 $0x2100;
	s31 =	sadd.s32 $0x8D600, s2;
	[dreg:$0x5] =	wrdreg s4;
	v6 =	vand.u32 $0xF, v9;
	v10 =	vunpack.c.0.s8.s32 v11;
	v11 =	vunpack.c.0.s8.s32 v12  }
0x14: {  	s23 =	simm.s32 $0x28;
	s0 =	smax.u32 s0, $0x1;
	[dreg:$0x6] =	wrdreg s31;
	v12 =	vimm.s32 $0x1;
	v7 =	vand.u32 $0xF, v7;
	v8 =	vand.u32 $0xF, v8  }
0x15: {  	s26 =	simm.s32 $0x1;
	s2 =	simm.s32 $0x0;
	[dreg:$0x7] =	wrdreg s0;
	v9 =	vcombine.low v11, v10;
	v10 =	vmul.u32 $0x2, v0;
	v11 =	vimm.s32 $0x0  }
.LBB2_1:
0x16: {  	[dreg:$0x9] =	wrdreg s2  }
0x17: {  	s0 =	rddreg [dreg:$0x4]  }
0x18: {  	[spmem:s1], [sflag:s4] =	dma.local [hbm:s0], $0x2800  }
0x19: {  	_ =	swait.ge [sflag:s16], $0x2800  }
0x1a: {  	[sflag:s16] =	ssyncset.done $0x0  }
0x1b: {  	[sflag:s16] =	ssyncadd.s32 $0xFFFFD800  }
0x1c: {  	s1 =	simm.s32 $0x0;
	[bflag:$0x0] =	sbarrier.arrive $0xFFFF  }
.LBB2_2:
0x1d: {  	s0 =	smul.u32 $0x28, s1;
	_ =	sdelay $0x1  }
0x1e: {  	s0 =	sadd.s32 s12, s0  }
0x1f: {  	s2 =	sshrl.u32 s0, $0x3  }
0x20: {  	s4 =	simm.s32 $0x0;
	s3 =	sadd.s32 s7, s2  }
0x21: {  	[tilespmem:s4], [sflag:$0x3] =	stream.linear.gather [hbm4b:s3+s4], $0x28, $0x38;
	[tilespmem:$0x1B900] =	vst v63  }
0x22: {  	_ =	swait.ge [sflag:s16], $0x28  }
0x23: {  	[sflag:s16] =	ssyncset.done $0x0  }
0x24: {  	s2 =	sadd.s32 s8, s2;
	[sflag:s16] =	ssyncadd.s32 $0xFFFFFFD8  }
0x25: {  	[tilespmem:s17], [sflag:$0x3] =	stream.linear.gather [hbm4b:s2+s4], $0x28, $0x38;
	[tilespmem:$0x1B900] =	vst v63  }
0x26: {  	_ =	swait.ge [sflag:s16], $0x28  }
0x27: {  	[sflag:s16] =	ssyncset.done $0x0  }
0x28: {  	[sflag:s16] =	ssyncadd.s32 $0xFFFFFFD8  }
0x29: {  	v19 =	vld [tilespmem:$0x0];
	_ =	sdelay $0x4  }
0x2a: {  	v20 =	vshll.u32 v19, $0x1  }
0x2b: {  	v19 =	vand.u32 $0x7, v19;
	v20 =	vand.u32 $0xFFFFFFF0, v20  }
0x2c: {  	v19 =	vor.u32 v19, v20  }
0x2d: {  	v20 =	vperm.xlane v19, v0;
	_ =	sdelay $0x1  }
0x2e: {  	v19 =	vperm.xlane v19, v2;
	v20 =	vadd.s32 v1, v20;
	_ =	sdelay $0x1  }
0x2f: {  	v19 =	vadd.s32 v1, v19;
	_ =	sdelay $0x1  }
0x30: {  	s11 =	simm.s32 $0x100  }
0x31: {  	[tilespmem:s11], [sflag:$0x1] =	stream.indirect_vreg.gather [hbm4b:s6+s4], $0x80, v20, vm0, $0xb8;
	[tilespmem:$0x1B900] =	vst v63  }
0x32: {  	s13 =	simm.s32 $0x900  }
0x33: {  	[tilespmem:s13], [sflag:$0x1] =	stream.indirect_vreg.gather [hbm4b:s6+s4], $0x80, v19, vm0, $0xb8;
	[tilespmem:$0x1B900] =	vst v63  }
0x34: {  	v19 =	vld [tilespmem:$0x10];
	_ =	sdelay $0x4  }
0x35: {  	v20 =	vshll.u32 v19, $0x1  }
0x36: {  	v19 =	vand.u32 $0x7, v19;
	v20 =	vand.u32 $0xFFFFFFF0, v20  }
0x37: {  	v19 =	vor.u32 v19, v20  }
0x38: {  	v20 =	vperm.xlane v19, v0;
	_ =	sdelay $0x1  }
0x39: {  	v19 =	vperm.xlane v19, v2;
	v20 =	vadd.s32 v1, v20;
	_ =	sdelay $0x1  }
0x3a: {  	v19 =	vadd.s32 v1, v19;
	_ =	sdelay $0x2  }
0x3b: {  	[tilespmem:s20], [sflag:$0x1] =	stream.indirect_vreg.gather [hbm4b:s6+s4], $0x80, v20, vm0, $0xb8;
	[tilespmem:$0x1B900] =	vst v63  }
0x3c: {  	_ = 	snop  }
0x3d: {  	[tilespmem:s21], [sflag:$0x1] =	stream.indirect_vreg.gather [hbm4b:s6+s4], $0x80, v19, vm0, $0xb8;
	[tilespmem:$0x1B900] =	vst v63  }
0x3e: {  	v19 =	vld.msk [tilespmem:$0x20], $0xff;
	_ =	sdelay $0x4  }
0x3f: {  	v20 =	vshll.u32 v19, $0x1  }
0x40: {  	v19 =	vand.u32 $0x7, v19;
	v20 =	vand.u32 $0xFFFFFFF0, v20  }
0x41: {  	v19 =	vor.u32 v19, v20  }
0x42: {  	v19 =	vperm.xlane v19, v0;
	_ =	sdelay $0x1  }
0x43: {  	v19 =	vadd.s32 v1, v19;
	_ =	sdelay $0x4  }
0x44: {  	[tilespmem:s22], [sflag:$0x1] =	stream.indirect_vreg.gather [hbm4b:s6+s4], $0x80, v19, vm0, $0xb8;
	[tilespmem:$0x1B900] =	vst v63  }
0x45: {  	s10 =	sshll.u32 s0, $0x4;
	s14 =	rddreg [dreg:$0x1]  }
0x46: {  	[tilespmem:s24], [sflag:$0x2] =	stream.indirect.gather [hbm4b:s14+s23], $0x80, s17, s23, $0xb8;
	[tilespmem:$0x1B900] =	vst v63  }
0x47: {  	s0 =	sadd.s32 s5, s10  }
0x48: {  	[tilespmem:s25], [sflag:$0x3] =	stream.linear.gather [hbm4b:s0+s4], $0x1400, $0x38;
	[tilespmem:$0x1B900] =	vst v63  }
0x49: {  	_ =	swait.ge [sflag:s16], $0x1400  }
0x4a: {  	[sflag:s16] =	ssyncset.done $0x0  }
0x4b: {  	[sflag:s16] =	ssyncadd.s32 $0xFFFFEC00  }
0x4c: {  	_ =	swait.ge [sflag:s26], $0x2800  }
0x4d: {  	[sflag:s26] =	ssyncset.done $0x0  }
0x4e: {  	[sflag:s26] =	ssyncadd.s32 $0xFFFFD800  }
0x4f: {  	_ =	swait.ge [sflag:s28], $0x1400  }
0x50: {  	[sflag:s28] =	ssyncset.done $0x0  }
0x51: {  	s15 =	simm.s32 $0x3D40;
	[sflag:s28] =	ssyncadd.s32 $0xFFFFEC00  }
0x52: {  	v19 =	vld [tilespmem:s15+$0x0]  }
0x53: {  	v20 =	vld [tilespmem:s15+$0x10]  }
0x54: {  	s18 =	simm.s32 $0x2940;
	v21 =	vld [tilespmem:s15+$0xFFFFFFF0]  }
0x55: {  	v22 =	vld [tilespmem:s18+$0x30]  }
0x56: {  	v23 =	vld [tilespmem:s18+$0x20]  }
0x57: {  	v24 =	vld [tilespmem:s18+$0x10]  }
0x58: {  	v25 =	vld [tilespmem:s18+$0xFFFFFFF0]  }
0x59: {  	v26 =	vld [tilespmem:s18+$0x0]  }
0x5a: {  	v27 =	vld [tilespmem:s15+$0x30]  }
0x5b: {  	s19 =	sand.u32 $0x3800, s4;
	s11 =	sand.u32 $0x380, s4;
	v28 =	vld [tilespmem:s18+$0xFFFFFFE0]  }
0x5c: {  	s13 =	sor.u32 s11, s19;
	v29 =	vld [tilespmem:s18+$0xFFFFFFC0]  }
0x5d: {  	v30 =	vld [tilespmem:s13+$0x150]  }
0x5e: {  	v31 =	vld [tilespmem:s13+$0x170]  }
0x5f: {  	v32 =	vld [tilespmem:s13+$0x160]  }
0x60: {  	v33 =	vld [tilespmem:s13+$0x130]  }
0x61: {  	v34 =	vld [tilespmem:s13+$0x110]  }
0x62: {  	v35 =	vld [tilespmem:s13+$0x100]  }
0x63: {  	v48 =	vld [tilespmem:s13+$0x120]  }
0x64: {  	v49 =	vld [tilespmem:s18+$0xFFFFFFD0]  }
0x65: {  	v51 =	vld [tilespmem:s13+$0x140]  }
0x66: {  	v50 =	vld [tilespmem:s15+$0xFFFFFFC0]  }
0x67: {  	v36 =	vld [tilespmem:s15+$0xFFFFFFE0];
	v24 =	vmul.f32 v24, v30;
	v22 =	vmul.f32 v22, v31  }
0x68: {  	v53 =	vld [tilespmem:s15+$0xFFFFFFD0];
	v23 =	vmul.f32 v23, v32;
	v25 =	vmul.f32 v25, v33  }
0x69: {  	v55 =	vld [tilespmem:s15+$0x20];
	v29 =	vmul.f32 v29, v35;
	v31 =	vmul.f32 v49, v34  }
0x6a: {  	v28 =	vmul.f32 v28, v48;
	v26 =	vmul.f32 v26, v51  }
0x6b: {  	v20 =	vmul.f32 v20, v24;
	v22 =	vmul.f32 v27, v22  }
0x6c: {  	v21 =	vmul.f32 v21, v25;
	v24 =	vmul.f32 v50, v29  }
0x6d: {  	v28 =	vmul.f32 v36, v28;
	v57 =	vmul.f32 v53, v31  }
0x6e: {  	v19 =	vmul.f32 v19, v26;
	v23 =	vmul.f32 v55, v23  }
0x6f: {  	v52 =	vperm.xlane v20, v3;
	v54 =	vperm.xlane v22, v3  }
0x70: {  	v56 =	vperm.xlane v21, v3;
	v29 =	vperm.xlane v24, v3  }
0x71: {  	v58 =	vperm.xlane v28, v3;
	v59 =	vperm.xlane v57, v3  }
0x72: {  	v60 =	vperm.xlane v19, v3;
	v20 =	vadd.f32 v52, v20;
	v21 =	vadd.f32 v56, v21  }
0x73: {  	v61 =	vperm.xlane v23, v3;
	v24 =	vadd.f32 v29, v24;
	v25 =	vadd.f32 v58, v28  }
0x74: {  	v26 =	vadd.f32 v59, v57;
	v19 =	vadd.f32 v60, v19  }
0x75: {  	v22 =	vadd.f32 v54, v22;
	v23 =	vadd.f32 v61, v23  }
0x76: {  	v21 =	vsel vm1, v25, v21;
	v24 =	vsel vm1, v24, v26;
	v19 =	vsel vm1, v19, v20  }
0x77: {  	v22 =	vsel vm1, v23, v22;
	v20 =	vperm.xlane v21, v4;
	v23 =	vperm.xlane v24, v4  }
0x78: {  	v62 =	vperm.xlane v19, v4;
	v63 =	vperm.xlane v22, v4  }
0x79: {  	v20 =	vadd.f32 v20, v21;
	v21 =	vadd.f32 v23, v24  }
0x7a: {  	v19 =	vadd.f32 v62, v19;
	v22 =	vadd.f32 v63, v22  }
0x7b: {  	v20 =	vperm.xlane v20, v6;
	v21 =	vperm.xlane v21, v5  }
0x7c: {  	v19 =	vperm.xlane v19, v5;
	v22 =	vperm.xlane v22, v6;
	_ =	sdelay $0x1  }
0x7d: {  	v20 =	vsel vm1, v21, v20;
	v19 =	vsel vm1, v19, v22  }
0x7e: {  	v21 =	vperm.xlane v20, v7;
	v22 =	vperm.xlane v19, v7;
	_ =	sdelay $0x1  }
0x7f: {  	v20 =	vadd.f32 v21, v20;
	v19 =	vadd.f32 v22, v19;
	_ =	sdelay $0x1  }
0x80: {  	v20 =	vperm.xlane v20, v8;
	v19 =	vperm.xlane v19, v8;
	_ =	sdelay $0x1  }
0x81: {  	v19 =	vsel vm1, v20, v19  }
0x82: {  	v20 =	vperm.xlane v19, v9;
	_ =	sdelay $0x1  }
0x83: {  	v19 =	vadd.f32 v20, v19;
	_ =	sdelay $0x1  }
0x84: {  	v19 =	vperm.xlane v19, v10;
	_ =	sdelay $0x1  }
0x85: {  	v19 =	vmul.f32 $2.500000000e-01, v19;
	_ =	sdelay $0x1  }
0x86: {  	v19 =	vmax.f32 v19, $-5.000000000e+00  }
0x87: {  	v19 =	vmin.f32 v19, $5.000000000e+00  }
0x88: {  	v19 =	vmul.f32 $1.442695020e+00, v19;
	_ =	sdelay $0x1  }
0x89: {  	(erf) = vpow2.f32 v19;
	_ =	sdelay $0x6  }
0x8a: {  	v20 =	vld [tilespmem:s13+$0x500];
	_ =	sdelay $0x1  }
0x8b: {  	v19 =	vpop (erf)  }
0x8c: {  	v21 =	vperm.xlane v19, v11;
	_ =	sdelay $0x1  }
0x8d: {  	v20 =	vmul.f32 v21, v20  }
0x8e: {  	s14 =	simm.s32 $0x5140  }
0x8f: {  	[tilespmem:s14+$0xFFFFFFC0] =	vst v20  }
0x90: {  	v20 =	vld [tilespmem:s13+$0x510];
	_ =	sdelay $0x2  }
0x91: {  	v21 =	vperm.xlane v19, v12;
	_ =	sdelay $0x1  }
0x92: {  	v20 =	vmul.f32 v21, v20;
	_ =	sdelay $0x1  }
0x93: {  	[tilespmem:s14+$0xFFFFFFD0] =	vst v20  }
0x94: {  	v20 =	vld [tilespmem:s13+$0x520];
	_ =	sdelay $0x2  }
0x95: {  	v21 =	vperm.xlane v19, v13;
	_ =	sdelay $0x1  }
0x96: {  	v20 =	vmul.f32 v21, v20;
	_ =	sdelay $0x1  }
0x97: {  	[tilespmem:s14+$0xFFFFFFE0] =	vst v20  }
0x98: {  	v20 =	vld [tilespmem:s13+$0x530];
	_ =	sdelay $0x2  }
0x99: {  	v21 =	vperm.xlane v19, v14;
	_ =	sdelay $0x1  }
0x9a: {  	v20 =	vmul.f32 v21, v20;
	_ =	sdelay $0x1  }
0x9b: {  	[tilespmem:s14+$0xFFFFFFF0] =	vst v20  }
0x9c: {  	v20 =	vld [tilespmem:s13+$0x540];
	_ =	sdelay $0x1  }
0x9d: {  	s31 =	simm.s32 $0x6500;
	s3 =	simm.s32 $0x29C0;
	s2 =	simm.s32 $0x3DC0  }
0x9e: {  	s11 =	simm.s32 $0x5140;
	s0 =	simm.s32 $0x100;
	s15 =	simm.s32 $0x6500;
	v21 =	vperm.xlane v19, v15  }
.LBB2_3:
0x9f: {  	s31 =	sadd.s32 $0x80, s31;
	s4 =	sadd.s32 $0x80, s4;
	s14 =	sadd.s32 $0x80, s14  }
0xa0: {  	p0 =	sne.s32 s0, $0x2700;
	s18 =	smov.u32 s0;
	s0 =	sadd.s32 $0x100, s0;
	v20 =	vmul.f32 v21, v20  }
0xa1: {  	_ = 	snop  }
0xa2: {  	[tilespmem:s11+$0x0] =	vst v20  }
0xa3: {  	v20 =	vld [tilespmem:s13+$0x550];
	_ =	sdelay $0x2  }
0xa4: {  	v21 =	vperm.xlane v19, v16;
	_ =	sdelay $0x1  }
0xa5: {  	v20 =	vmul.f32 v21, v20;
	_ =	sdelay $0x1  }
0xa6: {  	[tilespmem:s11+$0x10] =	vst v20  }
0xa7: {  	v20 =	vld [tilespmem:s13+$0x560];
	_ =	sdelay $0x2  }
0xa8: {  	v21 =	vperm.xlane v19, v17;
	_ =	sdelay $0x1  }
0xa9: {  	v20 =	vmul.f32 v21, v20;
	_ =	sdelay $0x1  }
0xaa: {  	[tilespmem:s11+$0x20] =	vst v20  }
0xab: {  	s18 =	sand.u32 $0x3800, s18;
	s19 =	sand.u32 $0x380, s4;
	v20 =	vld [tilespmem:s13+$0x570]  }
0xac: {  	s13 =	sor.u32 s19, s18;
	_ =	sdelay $0x1  }
0xad: {  	v21 =	vperm.xlane v19, v18;
	_ =	sdelay $0x1  }
0xae: {  	v20 =	vmul.f32 v21, v20;
	_ =	sdelay $0x1  }
0xaf: {  	[tilespmem:s11+$0x30] =	vst v20;
	s11 =	smov.u32 s14  }
0xb0: {  	[tilespmem:s15+$0x0] =	vst v19;
	s15 =	smov.u32 s31  }
0xb1: {  	v19 =	vld [tilespmem:s2+$0x0]  }
0xb2: {  	v20 =	vld [tilespmem:s2+$0x10]  }
0xb3: {  	v21 =	vld [tilespmem:s2+$0xFFFFFFF0]  }
0xb4: {  	v22 =	vld [tilespmem:s3+$0x30]  }
0xb5: {  	v23 =	vld [tilespmem:s3+$0x20]  }
0xb6: {  	v24 =	vld [tilespmem:s3+$0x10]  }
0xb7: {  	v25 =	vld [tilespmem:s3+$0xFFFFFFF0]  }
0xb8: {  	v26 =	vld [tilespmem:s3+$0x0]  }
0xb9: {  	v27 =	vld [tilespmem:s2+$0x30]  }
0xba: {  	v28 =	vld [tilespmem:s3+$0xFFFFFFE0]  }
0xbb: {  	v29 =	vld [tilespmem:s3+$0xFFFFFFC0]  }
0xbc: {  	v30 =	vld [tilespmem:s13+$0x150]  }
0xbd: {  	v31 =	vld [tilespmem:s13+$0x170]  }
0xbe: {  	v32 =	vld [tilespmem:s13+$0x160]  }
0xbf: {  	v33 =	vld [tilespmem:s13+$0x130]  }
0xc0: {  	v34 =	vld [tilespmem:s13+$0x110]  }
0xc1: {  	v35 =	vld [tilespmem:s13+$0x100];
	v24 =	vmul.f32 v24, v30  }
0xc2: {  	v30 =	vld [tilespmem:s13+$0x120];
	v22 =	vmul.f32 v22, v31  }
0xc3: {  	v31 =	vld [tilespmem:s3+$0xFFFFFFD0];
	v20 =	vmul.f32 v20, v24;
	v23 =	vmul.f32 v23, v32  }
0xc4: {  	v24 =	vld [tilespmem:s2+$0xFFFFFFC0];
	v22 =	vmul.f32 v27, v22  }
0xc5: {  	v27 =	vld [tilespmem:s13+$0x140];
	v32 =	vperm.xlane v20, v3  }
0xc6: {  	v25 =	vmul.f32 v25, v33;
	v36 =	vld [tilespmem:s2+$0xFFFFFFE0]  }
0xc7: {  	v29 =	vmul.f32 v29, v35;
	v33 =	vld [tilespmem:s2+$0xFFFFFFD0];
	v20 =	vadd.f32 v32, v20;
	v32 =	vperm.xlane v22, v3  }
0xc8: {  	v21 =	vmul.f32 v21, v25;
	v31 =	vmul.f32 v31, v34;
	v25 =	vld [tilespmem:s2+$0x20]  }
0xc9: {  	v28 =	vmul.f32 v28, v30;
	v24 =	vmul.f32 v24, v29;
	v22 =	vadd.f32 v32, v22  }
0xca: {  	v26 =	vmul.f32 v26, v27;
	v27 =	vperm.xlane v21, v3  }
0xcb: {  	v28 =	vmul.f32 v36, v28;
	v29 =	vperm.xlane v24, v3  }
0xcc: {  	v30 =	vmul.f32 v33, v31;
	v19 =	vmul.f32 v19, v26  }
0xcd: {  	v21 =	vadd.f32 v27, v21;
	v23 =	vmul.f32 v25, v23;
	v25 =	vperm.xlane v28, v3  }
0xce: {  	v24 =	vadd.f32 v29, v24;
	v26 =	vperm.xlane v30, v3;
	v27 =	vperm.xlane v19, v3  }
0xcf: {  	v25 =	vadd.f32 v25, v28;
	v28 =	vperm.xlane v23, v3  }
0xd0: {  	v26 =	vadd.f32 v26, v30;
	v19 =	vadd.f32 v27, v19  }
0xd1: {  	v21 =	vsel vm1, v25, v21;
	v23 =	vadd.f32 v28, v23  }
0xd2: {  	v24 =	vsel vm1, v24, v26;
	v19 =	vsel vm1, v19, v20;
	v20 =	vperm.xlane v21, v4  }
0xd3: {  	v22 =	vsel vm1, v23, v22;
	v23 =	vperm.xlane v24, v4;
	v25 =	vperm.xlane v19, v4  }
0xd4: {  	v20 =	vadd.f32 v20, v21;
	v21 =	vperm.xlane v22, v4  }
0xd5: {  	v23 =	vadd.f32 v23, v24;
	v19 =	vadd.f32 v25, v19  }
0xd6: {  	v20 =	vperm.xlane v20, v6;
	v21 =	vadd.f32 v21, v22  }
0xd7: {  	v22 =	vperm.xlane v23, v5  }
0xd8: {  	v19 =	vperm.xlane v19, v5;
	v21 =	vperm.xlane v21, v6  }
0xd9: {  	v20 =	vsel vm1, v22, v20  }
0xda: {  	v19 =	vsel vm1, v19, v21;
	v21 =	vperm.xlane v20, v7  }
0xdb: {  	v22 =	vperm.xlane v19, v7  }
0xdc: {  	v20 =	vadd.f32 v21, v20  }
0xdd: {  	v19 =	vadd.f32 v22, v19;
	_ =	sdelay $0x1  }
0xde: {  	v20 =	vperm.xlane v20, v8;
	v19 =	vperm.xlane v19, v8;
	_ =	sdelay $0x1  }
0xdf: {  	v19 =	vsel vm1, v20, v19  }
0xe0: {  	v20 =	vperm.xlane v19, v9;
	_ =	sdelay $0x1  }
0xe1: {  	v19 =	vadd.f32 v20, v19;
	_ =	sdelay $0x1  }
0xe2: {  	v19 =	vperm.xlane v19, v10;
	_ =	sdelay $0x1  }
0xe3: {  	v19 =	vmul.f32 $2.500000000e-01, v19;
	_ =	sdelay $0x1  }
0xe4: {  	v19 =	vmax.f32 v19, $-5.000000000e+00  }
0xe5: {  	v19 =	vmin.f32 v19, $5.000000000e+00  }
0xe6: {  	v19 =	vmul.f32 $1.442695020e+00, v19;
	_ =	sdelay $0x1  }
0xe7: {  	(erf) = vpow2.f32 v19;
	_ =	sdelay $0x6  }
0xe8: {  	v20 =	vld [tilespmem:s13+$0x500];
	_ =	sdelay $0x1  }
0xe9: {  	v19 =	vpop (erf)  }
0xea: {  	v21 =	vperm.xlane v19, v11;
	_ =	sdelay $0x1  }
0xeb: {  	v20 =	vmul.f32 v21, v20;
	_ =	sdelay $0x1  }
0xec: {  	[tilespmem:s14+$0xFFFFFFC0] =	vst v20  }
0xed: {  	v20 =	vld [tilespmem:s13+$0x510];
	_ =	sdelay $0x2  }
0xee: {  	v21 =	vperm.xlane v19, v12;
	_ =	sdelay $0x1  }
0xef: {  	v20 =	vmul.f32 v21, v20;
	_ =	sdelay $0x1  }
0xf0: {  	[tilespmem:s14+$0xFFFFFFD0] =	vst v20  }
0xf1: {  	v20 =	vld [tilespmem:s13+$0x520];
	_ =	sdelay $0x2  }
0xf2: {  	v21 =	vperm.xlane v19, v13;
	_ =	sdelay $0x1  }
0xf3: {  	v20 =	vmul.f32 v21, v20;
	_ =	sdelay $0x1  }
0xf4: {  	[tilespmem:s14+$0xFFFFFFE0] =	vst v20  }
0xf5: {  	v20 =	vld [tilespmem:s13+$0x530];
	_ =	sdelay $0x2  }
0xf6: {  	v21 =	vperm.xlane v19, v14;
	_ =	sdelay $0x1  }
0xf7: {  	v20 =	vmul.f32 v21, v20;
	_ =	sdelay $0x1  }
.Ltmp0:
0xf8: {  	[tilespmem:s14+$0xFFFFFFF0] =	vst v20;
	(pc) =	sbr.rel @p0 .LBB2_3-.Ltmp0, $2  }
0xf9: {  	v20 =	vld [tilespmem:s13+$0x540];
	_ =	sdelay $0x2  }
0xfa: {  	s3 =	sadd.s32 $0x80, s3;
	s2 =	sadd.s32 $0x80, s2;
	v21 =	vperm.xlane v19, v15  }
0xfb: {  	_ = 	snop  }
0xfc: {  	v20 =	vmul.f32 v21, v20;
	_ =	sdelay $0x1  }
0xfd: {  	[tilespmem:s11+$0x0] =	vst v20  }
0xfe: {  	v20 =	vld [tilespmem:s13+$0x550];
	_ =	sdelay $0x2  }
0xff: {  	v61 =	vperm.xlane v19, v16;
	_ =	sdelay $0x1  }
0x100: {  	v20 =	vmul.f32 v61, v20;
	_ =	sdelay $0x1  }
0x101: {  	[tilespmem:s11+$0x10] =	vst v20  }
0x102: {  	v20 =	vld [tilespmem:s13+$0x560];
	_ =	sdelay $0x2  }
0x103: {  	v62 =	vperm.xlane v19, v17;
	_ =	sdelay $0x1  }
0x104: {  	v20 =	vmul.f32 v62, v20;
	_ =	sdelay $0x1  }
0x105: {  	[tilespmem:s11+$0x20] =	vst v20  }
0x106: {  	v20 =	vld [tilespmem:s13+$0x570];
	_ =	sdelay $0x2  }
0x107: {  	v63 =	vperm.xlane v19, v18;
	_ =	sdelay $0x1  }
0x108: {  	v20 =	vmul.f32 v63, v20;
	_ =	sdelay $0x1  }
0x109: {  	[tilespmem:s11+$0x30] =	vst v20  }
0x10a: {  	s0 =	rddreg [dreg:$0x2];
	[tilespmem:s15+$0x0] =	vst v19  }
0x10b: {  	[spmem:s0] =	stream.indirect.scatter.add.f32 [tilespmem:s29], [sflag:$0x3], $0x80, s17, s23, $0xb8;
	[tilespmem:$0x1B900] =	vst v63  }
0x10c: {  	s1 =	sadd.s32 $0x1, s1;
	_ =	swait.ge [sflag:s16], $0x1400  }
0x10d: {  	s31 =	sadd.s32 s9, s10;
	p0 =	sne.s32 s1, $0xFA;
	[sflag:s16] =	ssyncset.done $0x0  }
.Ltmp1:
0x10e: {  	s2 =	simm.s32 $0x0;
	[sflag:s16] =	ssyncadd.s32 $0xFFFFEC00;
	(pc) =	sbr.rel @p0 .LBB2_2-.Ltmp1, $4  }
0x10f: {  	[hbm4b:s31+s2] =	stream.linear.scatter [tilespmem:s30], [sflag:$0x3], $0x1400, $0x38;
	[tilespmem:$0x1B900] =	vst v63  }
0x110: {  	_ =	swait.ge [sflag:s16], $0x1400  }
0x111: {  	[sflag:s16] =	ssyncset.done $0x0  }
0x112: {  	[sflag:s16] =	ssyncadd.s32 $0xFFFFEC00  }
0x113: {  	[bflag:$0x0] =	sbarrier.arrive $0xFFFF  }
0x114: {  	s4 =	rddreg [dreg:$0x5]  }
0x115: {  	s0 =	rddreg [dreg:$0x6]  }
0x116: {  	s1 =	rddreg [dreg:$0x8]  }
0x117: {  	[hbm:s0], [sflag:s4] =	dma.local [spmem:s1], $0x2800  }
0x118: {  	_ =	swait.ge [sflag:s16], $0x2800  }
0x119: {  	s2 =	rddreg [dreg:$0x9]  }
0x11a: {  	s31 =	rddreg [dreg:$0x7];
	s2 =	sadd.s32 $0x1, s2  }
0x11b: {  	p0 =	sne.s32 s2, s31  }
.Ltmp2:
0x11c: {  	_ = 	snop;
	(pc) =	sbr.rel @p0 .LBB2_1-.Ltmp2, $3  }
0x11d: {  	_ =	sdelay $0x1  }
0x11e: {  	[sflag:s16] =	ssyncset.done $0x0  }
0x11f: {  	[sflag:s16] =	ssyncadd.s32 $0xFFFFD800  }
0x120: {  	_ =	sfence.sel $0x180000  }
0x121: {  	[bflag:$0x0] =	sbarrier.arrive $0xFFFF  }
0x122: {  	_ =	strace $0x90000047  }
0x123: {  	s0 =	stileid.u32;
	[bflag:$0x2] =	sbarrier.arrive $0xFFFF  }
0x124: {  	p0 =	sne.s32 s0, $0x0;
	s0 =	rddreg [dreg:$0x3]  }
0x125: {  	s0 =	sadd.s32 @!p0 $0x100000, s0  }
0x126: {  	[sflag:s0] =	ssyncadd.tile.s32 @!p0 $0x1;
	_ =	shalt  }
.Lfunc_end2:
_tile_overlayer_lowered:
.L_overlay_start_2:
0x127: {  	(tag) =	ssettag $0x2  }
0x128: {  	s0 =	rddreg [dreg:$0x0];
	s2 =	stileid.u32  }
0x129: {  	s1 =	rddreg [dreg:$0x1];
	p0 =	sne.s32 s2, $0x0  }
0x12a: {  	s3 =	rddreg [dreg:$0x2];
	[bflag:$0x3] =	sbarrier.arrive $0xFFFF;
	s2 =	simm.s32 @!p0 $0x1C03  }
0x12b: {  	[timem:s3], [sflag:s2] =	dma.local @!p0 [hbm:s0], s1  }
0x12c: {  	s0 =	simm.s32 @!p0 $0x3  }
0x12d: {  	_ =	swait.ge @!p0 [sflag:s0], s1  }
0x12e: {  	s1 =	ssub.s32 @!p0 $0x0, s1;
	[sflag:s0] =	ssyncset.done @!p0 $0x0  }
0x12f: {  	[sflag:s0] =	ssyncadd.s32 @!p0 s1  }
0x130: {  	[bflag:$0x3] =	sbarrier.arrive $0xFFFF  }
0x131: {  	_ =	shalt  }

</sc_bundles>
